<compile_context>
chip_gen: v7x
topology: tpu7x:2x2x1
jax: 0.10.2.dev20260603
libtpu: 0.0.44.dev20260713+nightly
codegen_flags: <defaults>
</compile_context>

<pallas_src>
import jax
import jax.numpy as jnp
from jax import lax
from jax.experimental import pallas as pl
from jax.experimental.pallas import tpu as pltpu
from jax.experimental.pallas import tpu_sc as plsc

B = 4096
L = 200
D = 32
LANES = 16

NC = 2
NS = 16
NW = NC * NS
BPW = B // NW
CL = 4
N_PAIRS = L // (2 * CL)
TILE = 8 * 128
QP = 129


def _emb_body(table_hbm, xt_hbm, pe_hbm, scale_hbm, out_hbm,
              idx_v, rows_a, rows_b, q_a, q_b, pe_v, scale_v,
              sem_a, sem_b, sem_out):
    w = lax.axis_index("s") * NC + lax.axis_index("c")

    pltpu.sync_copy(pe_hbm.at[pl.ds(0, L)], pe_v)
    pltpu.sync_copy(scale_hbm, scale_v)
    pltpu.sync_copy(xt_hbm.at[:, pl.ds(w * BPW, BPW)], idx_v)
    sv = scale_v[...]
    iota = lax.iota(jnp.int32, LANES)
    di_v = iota & 7

    def compute(rows_v, q_v, l0):
        for li in range(CL):
            l = l0 + li
            pe_lo = pe_v[l, pl.ds(0, LANES)]
            pe_hi = pe_v[l, pl.ds(LANES, LANES)]
            k_lo = (iota >> 3) + li * 4
            k_hi = k_lo + 2

            @plsc.parallel_loop(0, BPW, unroll=2)
            def bl_body(bl, li=li, pe_lo=pe_lo, pe_hi=pe_hi,
                        k_lo=k_lo, k_hi=k_hi):
                r = li * BPW + bl
                col = jnp.full((LANES,), bl, jnp.int32)
                v_lo = rows_v[r, pl.ds(0, LANES)] * sv + pe_lo
                v_hi = rows_v[r, pl.ds(LANES, LANES)] * sv + pe_hi
                plsc.store_scatter(q_v, [k_lo, di_v, col], v_lo)
                plsc.store_scatter(q_v, [k_hi, di_v, col], v_hi)

    def gathers(rows_v, l0, sem):
        return [
            pltpu.async_copy(
                table_hbm.at[idx_v.at[l0 + li]],
                rows_v.at[pl.ds(li * BPW, BPW)],
                sem,
            )
            for li in range(CL)
        ]

    def writeback(q_v, l0):
        return pltpu.async_copy(
            q_v.at[:, :, pl.ds(0, BPW)],
            out_hbm.at[pl.ds(l0 * 4, CL * 4), pl.ds(w * 8, 8), :],
            sem_out,
        )

    def pair_body(p, carry):
        l0a = p * (2 * CL)
        l0b = l0a + CL
        gs_a = gathers(rows_a, l0a, sem_a)
        gs_b = gathers(rows_b, l0b, sem_b)
        for cp in gs_a:
            cp.wait()
        compute(rows_a, q_a, l0a)
        wb_a = writeback(q_a, l0a)
        for cp in gs_b:
            cp.wait()
        compute(rows_b, q_b, l0b)
        wb_b = writeback(q_b, l0b)
        wb_a.wait()
        wb_b.wait()
        return carry

    lax.fori_loop(0, N_PAIRS, pair_body, 0)


def kernel(x, table, pe, scale):
    xt = jnp.asarray(x, jnp.int32).T
    scale_v = jnp.broadcast_to(scale.astype(jnp.float32), (LANES,))
    mesh = plsc.VectorSubcoreMesh(core_axis_name="c", subcore_axis_name="s")
    q = pl.kernel(
        _emb_body,
        out_type=jax.ShapeDtypeStruct((L * (D // 8), NW * 8, BPW),
                                      jnp.float32),
        mesh=mesh,
        compiler_params=pltpu.CompilerParams(
            use_tc_tiling_on_sc=False, needs_layout_passes=False),
        scratch_types=[
            pltpu.VMEM((L, BPW), jnp.int32),
            pltpu.VMEM((CL * BPW, D), jnp.float32),
            pltpu.VMEM((CL * BPW, D), jnp.float32),
            pltpu.VMEM((CL * 4, 8, QP), jnp.float32),
            pltpu.VMEM((CL * 4, 8, QP), jnp.float32),
            pltpu.VMEM((L, D), jnp.float32),
            pltpu.VMEM((LANES,), jnp.float32),
            pltpu.SemaphoreType.DMA,
            pltpu.SemaphoreType.DMA,
            pltpu.SemaphoreType.DMA,
        ],
    )(table, xt, pe, scale_v)
    out = (
        q.reshape(L, D // 8, NW, 8, BPW)
        .transpose(2, 4, 0, 1, 3)
        .reshape(B, L, D)
    )
    return out

# --- scband reference (transcript-rebuilt; emitter-appended) ---
"""Pipeline reference for scband-embeddings-55353538510858 (READ-ONLY COPY).

The authoritative reference and input builder live on the scoring server;
editing this copy changes nothing except your own understanding.
"""

import jax, jax.numpy as jnp
import numpy as np
import math

VOCAB = 1000000
EMB_DIM = 32
MAX_LEN = 512
B = 4096
L = 200

def _make_pe(max_len, emb_dim):
    pe = np.zeros((max_len, emb_dim), dtype=np.float32)
    position = np.arange(0, max_len, dtype=np.float32)[:, None]
    div_term = np.exp(np.arange(0, emb_dim, 2, dtype=np.float32) * (-math.log(10000.0) / emb_dim))
    pe[:, 0::2] = np.sin(position * div_term)
    pe[:, 1::2] = np.cos(position * div_term)
    return jnp.asarray(pe)

def setup_inputs(seed: int = 0) -> dict:
    key = jax.random.key(seed)
    k1, k2 = jax.random.split(key)
    x = jax.random.randint(k1, (B, L), 0, VOCAB, dtype=jnp.int64)
    table = jax.random.normal(k2, (VOCAB, EMB_DIM), dtype=jnp.float32) * 0.02
    pe = _make_pe(MAX_LEN, EMB_DIM)
    scale = jnp.asarray([math.sqrt(float(EMB_DIM))], dtype=jnp.float32)
    return {"x": x, "table": table, "pe": pe, "scale": scale}

def reference(x, table, pe, scale):
    # TokenEmbedding: embedding lookup scaled by sqrt(emb_dim)
    tok = jnp.take(table, x, axis=0) * scale  # [B, L, D]
    # PosEncoding: pe[:x.size(-1), :] since x is [B, L] int tokens -> L rows
    pos = pe[:x.shape[-1], :]  # [L, D], broadcast over batch
    # Dropout in eval mode = identity
    return tok + pos

if __name__ == "__main__":
    import jax
    _d = setup_inputs()
    print(jax.jit(kernel)(*tuple(_d.values())))

</pallas_src>

<mosaic_0001>
#map = affine_map<(d0, d1) -> (0, 0)>
#map1 = affine_map<(d0, d1) -> (0)>
#map2 = affine_map<(d0, d1) -> (0, 0, 0)>
module attributes {stable_mosaic.version = 14 : i64} {
  func.func @_emb_body(%arg0: i32, %arg1: i32, %arg2: memref<1000000x32xf32, #tpu.memory_space<hbm>>, %arg3: memref<200x4096xi32, #tpu.memory_space<hbm>>, %arg4: memref<512x32xf32, #tpu.memory_space<hbm>>, %arg5: memref<16xf32, #tpu.memory_space<hbm>>, %arg6: memref<800x256x128xf32, #tpu.memory_space<hbm>>, %arg7: memref<200x128xi32, #tpu.memory_space<vmem>>, %arg8: memref<512x32xf32, #tpu.memory_space<vmem>>, %arg9: memref<512x32xf32, #tpu.memory_space<vmem>>, %arg10: memref<16x8x129xf32, #tpu.memory_space<vmem>>, %arg11: memref<16x8x129xf32, #tpu.memory_space<vmem>>, %arg12: memref<200x32xf32, #tpu.memory_space<vmem>>, %arg13: memref<16xf32, #tpu.memory_space<vmem>>, %arg14: memref<!tpu.dma_semaphore, #tpu.memory_space<semaphore_mem>>, %arg15: memref<!tpu.dma_semaphore, #tpu.memory_space<semaphore_mem>>, %arg16: memref<!tpu.dma_semaphore, #tpu.memory_space<semaphore_mem>>) attributes {dimension_semantics = [#tpu.dimension_semantics<core_parallel>, #tpu.dimension_semantics<subcore_parallel>], iteration_bounds = array<i64: 2, 16>, scalar_prefetch = 0 : i64, scratch_operands = 10 : i64, tpu.core_type = #tpu.core_type<sc_vector_subcore>, window_params = [{transform_indices = #map}, {transform_indices = #map}, {transform_indices = #map}, {transform_indices = #map1}, {transform_indices = #map2}]} {
    %mul3A = arith.constant 2 : i32
    %mul3A_0 = arith.muli %arg1, %mul3A : i32
    %add3A = arith.addi %mul3A_0, %arg0 : i32
    "tpu.region"() ({
      %run_scoped3A = tpu.sem_alloc : memref<!tpu.dma_semaphore, #tpu.memory_space<semaphore_mem>>
      %dma_start3A = arith.constant 0 : i32
      %dma_start3A_11 = arith.constant 0 : i32
      %dma_start3A_12 = tpu.memref_slice %arg4[%dma_start3A, %dma_start3A_11] : memref<512x32xf32, #tpu.memory_space<hbm>> -> memref<200x32xf32, #tpu.memory_space<hbm>>
      %dma_start3A_13 = arith.constant 0 : i32
      %dma_start3A_14 = arith.constant 0 : i32
      %dma_start3A_15 = tpu.memref_slice %arg4[%dma_start3A_13, %dma_start3A_14] : memref<512x32xf32, #tpu.memory_space<hbm>> -> memref<200x32xf32, #tpu.memory_space<hbm>>
      tpu.enqueue_dma source(%dma_start3A_15 : memref<200x32xf32, #tpu.memory_space<hbm>>) target(%arg12 : memref<200x32xf32, #tpu.memory_space<vmem>>) target_semaphore(%run_scoped3A : memref<!tpu.dma_semaphore, #tpu.memory_space<semaphore_mem>>)
      %dma_wait3A = arith.constant 0 : i32
      %dma_wait3A_16 = arith.constant 0 : i32
      %dma_wait3A_17 = tpu.memref_slice %arg4[%dma_wait3A, %dma_wait3A_16] : memref<512x32xf32, #tpu.memory_space<hbm>> -> memref<200x32xf32, #tpu.memory_space<hbm>>
      %dma_wait3A_18 = arith.constant 0 : i32
      %dma_wait3A_19 = arith.constant 0 : i32
      %dma_wait3A_20 = tpu.memref_slice %arg4[%dma_wait3A_18, %dma_wait3A_19] : memref<512x32xf32, #tpu.memory_space<hbm>> -> memref<200x32xf32, #tpu.memory_space<hbm>>
      tpu.wait_dma2 semaphore(%run_scoped3A : memref<!tpu.dma_semaphore, #tpu.memory_space<semaphore_mem>>) src(%dma_wait3A_20 : memref<200x32xf32, #tpu.memory_space<hbm>>) dst(%arg12 : memref<200x32xf32, #tpu.memory_space<vmem>>)
      tpu.yield
    }) : () -> ()
    "tpu.region"() ({
      %run_scoped3A = tpu.sem_alloc : memref<!tpu.dma_semaphore, #tpu.memory_space<semaphore_mem>>
      tpu.enqueue_dma source(%arg5 : memref<16xf32, #tpu.memory_space<hbm>>) target(%arg13 : memref<16xf32, #tpu.memory_space<vmem>>) target_semaphore(%run_scoped3A : memref<!tpu.dma_semaphore, #tpu.memory_space<semaphore_mem>>)
      tpu.wait_dma2 semaphore(%run_scoped3A : memref<!tpu.dma_semaphore, #tpu.memory_space<semaphore_mem>>) src(%arg5 : memref<16xf32, #tpu.memory_space<hbm>>) dst(%arg13 : memref<16xf32, #tpu.memory_space<vmem>>)
      tpu.yield
    }) : () -> ()
    %mul3A_1 = arith.constant 128 : i32
    %mul3A_2 = arith.muli %add3A, %mul3A_1 : i32
    "tpu.region"() ({
      %run_scoped3A = tpu.sem_alloc : memref<!tpu.dma_semaphore, #tpu.memory_space<semaphore_mem>>
      %dma_start3A = arith.constant 0 : i32
      %dma_start3A_11 = tpu.memref_slice %arg3[%dma_start3A, %mul3A_2] : memref<200x4096xi32, #tpu.memory_space<hbm>> -> memref<200x128xi32, #tpu.memory_space<hbm>>
      %dma_start3A_12 = arith.constant 0 : i32
      %dma_start3A_13 = tpu.memref_slice %arg3[%dma_start3A_12, %mul3A_2] : memref<200x4096xi32, #tpu.memory_space<hbm>> -> memref<200x128xi32, #tpu.memory_space<hbm>>
      tpu.enqueue_dma source(%dma_start3A_13 : memref<200x128xi32, #tpu.memory_space<hbm>>) target(%arg7 : memref<200x128xi32, #tpu.memory_space<vmem>>) target_semaphore(%run_scoped3A : memref<!tpu.dma_semaphore, #tpu.memory_space<semaphore_mem>>)
      %dma_wait3A = arith.constant 0 : i32
      %dma_wait3A_14 = tpu.memref_slice %arg3[%dma_wait3A, %mul3A_2] : memref<200x4096xi32, #tpu.memory_space<hbm>> -> memref<200x128xi32, #tpu.memory_space<hbm>>
      %dma_wait3A_15 = arith.constant 0 : i32
      %dma_wait3A_16 = tpu.memref_slice %arg3[%dma_wait3A_15, %mul3A_2] : memref<200x4096xi32, #tpu.memory_space<hbm>> -> memref<200x128xi32, #tpu.memory_space<hbm>>
      tpu.wait_dma2 semaphore(%run_scoped3A : memref<!tpu.dma_semaphore, #tpu.memory_space<semaphore_mem>>) src(%dma_wait3A_16 : memref<200x128xi32, #tpu.memory_space<hbm>>) dst(%arg7 : memref<200x128xi32, #tpu.memory_space<vmem>>)
      tpu.yield
    }) : () -> ()
    %get3A = arith.constant 0 : index
    %get3A_3 = tpu.vector_load %arg13[%get3A] {strides = array<i32>} : memref<16xf32, #tpu.memory_space<vmem>>, vector<16xf32>,
    %iota3A = tpu.iota {dimensions = array<i32: 0>} : vector<16xi32>
    %and3A = arith.constant 7 : i32
    %and3A_4 = vector.broadcast %and3A : i32 to vector<16xi32>
    %and3A_5 = arith.andi %iota3A, %and3A_4 : vector<16xi32>
    %scan3A = arith.constant 0 : i32
    %scan3A_6 = arith.constant 0 : i32
    %scan3A_7 = arith.constant 25 : i32
    %scan3A_8 = arith.addi %scan3A_6, %scan3A_7 : i32
    %scan3A_9 = arith.constant 1 : i32
    scf.for %scan3A_11 = %scan3A_6 to %scan3A_8 step %scan3A_9  : i32 {
      %mul3A_12 = arith.constant 8 : i32
      %mul3A_13 = arith.muli %scan3A_11, %mul3A_12 : i32
      %add3A_14 = arith.constant 4 : i32
      %add3A_15 = arith.addi %mul3A_13, %add3A_14 : i32
      %add3A_16 = arith.constant 0 : i32
      %add3A_17 = arith.addi %mul3A_13, %add3A_16 : i32
      %dma_start3A = arith.constant 0 : i32
      %dma_start3A_18 = arith.constant 0 : i32
      %dma_start3A_19 = tpu.memref_slice %arg8[%dma_start3A, %dma_start3A_18] : memref<512x32xf32, #tpu.memory_space<vmem>> -> memref<128x32xf32, #tpu.memory_space<vmem>>
      %dma_start3A_20 = arith.constant 0 : i32
      %dma_start3A_21 = tpu.memref_slice %arg7[%add3A_17, %dma_start3A_20] : memref<200x128xi32, #tpu.memory_space<vmem>> -> memref<1x128xi32, #tpu.memory_space<vmem>>
      %dma_start3A_22 = tpu.memref_squeeze %dma_start3A_21 : memref<1x128xi32, #tpu.memory_space<vmem>> -> memref<128xi32, #tpu.memory_space<vmem>>
      %dma_start3A_23 = arith.constant 0 : i32
      %dma_start3A_24 = arith.constant 0 : i32
      %dma_start3A_25 = tpu.memref_slice %arg2[%dma_start3A_23, %dma_start3A_24] : memref<1000000x32xf32, #tpu.memory_space<hbm>> -> memref<1000000x32xf32, #tpu.memory_space<hbm>>
      tpu.enqueue_indirect_dma source(%dma_start3A_25 : memref<1000000x32xf32, #tpu.memory_space<hbm>>) target(%dma_start3A_19 : memref<128x32xf32, #tpu.memory_space<vmem>>) offsets(%dma_start3A_22 : memref<128xi32, #tpu.memory_space<vmem>>) semaphore(%arg14 : memref<!tpu.dma_semaphore, #tpu.memory_space<semaphore_mem>>)
      %add3A_26 = arith.constant 1 : i32
      %add3A_27 = arith.addi %mul3A_13, %add3A_26 : i32
      %dma_start3A_28 = arith.constant 128 : i32
      %dma_start3A_29 = arith.constant 0 : i32
      %dma_start3A_30 = tpu.memref_slice %arg8[%dma_start3A_28, %dma_start3A_29] : memref<512x32xf32, #tpu.memory_space<vmem>> -> memref<128x32xf32, #tpu.memory_space<vmem>>
      %dma_start3A_31 = arith.constant 0 : i32
      %dma_start3A_32 = tpu.memref_slice %arg7[%add3A_27, %dma_start3A_31] : memref<200x128xi32, #tpu.memory_space<vmem>> -> memref<1x128xi32, #tpu.memory_space<vmem>>
      %dma_start3A_33 = tpu.memref_squeeze %dma_start3A_32 : memref<1x128xi32, #tpu.memory_space<vmem>> -> memref<128xi32, #tpu.memory_space<vmem>>
      %dma_start3A_34 = arith.constant 0 : i32
      %dma_start3A_35 = arith.constant 0 : i32
      %dma_start3A_36 = tpu.memref_slice %arg2[%dma_start3A_34, %dma_start3A_35] : memref<1000000x32xf32, #tpu.memory_space<hbm>> -> memref<1000000x32xf32, #tpu.memory_space<hbm>>
      tpu.enqueue_indirect_dma source(%dma_start3A_36 : memref<1000000x32xf32, #tpu.memory_space<hbm>>) target(%dma_start3A_30 : memref<128x32xf32, #tpu.memory_space<vmem>>) offsets(%dma_start3A_33 : memref<128xi32, #tpu.memory_space<vmem>>) semaphore(%arg14 : memref<!tpu.dma_semaphore, #tpu.memory_space<semaphore_mem>>)
      %add3A_37 = arith.constant 2 : i32
      %add3A_38 = arith.addi %mul3A_13, %add3A_37 : i32
      %dma_start3A_39 = arith.constant 256 : i32
      %dma_start3A_40 = arith.constant 0 : i32
      %dma_start3A_41 = tpu.memref_slice %arg8[%dma_start3A_39, %dma_start3A_40] : memref<512x32xf32, #tpu.memory_space<vmem>> -> memref<128x32xf32, #tpu.memory_space<vmem>>
      %dma_start3A_42 = arith.constant 0 : i32
      %dma_start3A_43 = tpu.memref_slice %arg7[%add3A_38, %dma_start3A_42] : memref<200x128xi32, #tpu.memory_space<vmem>> -> memref<1x128xi32, #tpu.memory_space<vmem>>
      %dma_start3A_44 = tpu.memref_squeeze %dma_start3A_43 : memref<1x128xi32, #tpu.memory_space<vmem>> -> memref<128xi32, #tpu.memory_space<vmem>>
      %dma_start3A_45 = arith.constant 0 : i32
      %dma_start3A_46 = arith.constant 0 : i32
      %dma_start3A_47 = tpu.memref_slice %arg2[%dma_start3A_45, %dma_start3A_46] : memref<1000000x32xf32, #tpu.memory_space<hbm>> -> memref<1000000x32xf32, #tpu.memory_space<hbm>>
      tpu.enqueue_indirect_dma source(%dma_start3A_47 : memref<1000000x32xf32, #tpu.memory_space<hbm>>) target(%dma_start3A_41 : memref<128x32xf32, #tpu.memory_space<vmem>>) offsets(%dma_start3A_44 : memref<128xi32, #tpu.memory_space<vmem>>) semaphore(%arg14 : memref<!tpu.dma_semaphore, #tpu.memory_space<semaphore_mem>>)
      %add3A_48 = arith.constant 3 : i32
      %add3A_49 = arith.addi %mul3A_13, %add3A_48 : i32
      %dma_start3A_50 = arith.constant 384 : i32
      %dma_start3A_51 = arith.constant 0 : i32
      %dma_start3A_52 = tpu.memref_slice %arg8[%dma_start3A_50, %dma_start3A_51] : memref<512x32xf32, #tpu.memory_space<vmem>> -> memref<128x32xf32, #tpu.memory_space<vmem>>
      %dma_start3A_53 = arith.constant 0 : i32
      %dma_start3A_54 = tpu.memref_slice %arg7[%add3A_49, %dma_start3A_53] : memref<200x128xi32, #tpu.memory_space<vmem>> -> memref<1x128xi32, #tpu.memory_space<vmem>>
      %dma_start3A_55 = tpu.memref_squeeze %dma_start3A_54 : memref<1x128xi32, #tpu.memory_space<vmem>> -> memref<128xi32, #tpu.memory_space<vmem>>
      %dma_start3A_56 = arith.constant 0 : i32
      %dma_start3A_57 = arith.constant 0 : i32
      %dma_start3A_58 = tpu.memref_slice %arg2[%dma_start3A_56, %dma_start3A_57] : memref<1000000x32xf32, #tpu.memory_space<hbm>> -> memref<1000000x32xf32, #tpu.memory_space<hbm>>
      tpu.enqueue_indirect_dma source(%dma_start3A_58 : memref<1000000x32xf32, #tpu.memory_space<hbm>>) target(%dma_start3A_52 : memref<128x32xf32, #tpu.memory_space<vmem>>) offsets(%dma_start3A_55 : memref<128xi32, #tpu.memory_space<vmem>>) semaphore(%arg14 : memref<!tpu.dma_semaphore, #tpu.memory_space<semaphore_mem>>)
      %add3A_59 = arith.constant 0 : i32
      %add3A_60 = arith.addi %add3A_15, %add3A_59 : i32
      %dma_start3A_61 = arith.constant 0 : i32
      %dma_start3A_62 = arith.constant 0 : i32
      %dma_start3A_63 = tpu.memref_slice %arg9[%dma_start3A_61, %dma_start3A_62] : memref<512x32xf32, #tpu.memory_space<vmem>> -> memref<128x32xf32, #tpu.memory_space<vmem>>
      %dma_start3A_64 = arith.constant 0 : i32
      %dma_start3A_65 = tpu.memref_slice %arg7[%add3A_60, %dma_start3A_64] : memref<200x128xi32, #tpu.memory_space<vmem>> -> memref<1x128xi32, #tpu.memory_space<vmem>>
      %dma_start3A_66 = tpu.memref_squeeze %dma_start3A_65 : memref<1x128xi32, #tpu.memory_space<vmem>> -> memref<128xi32, #tpu.memory_space<vmem>>
      %dma_start3A_67 = arith.constant 0 : i32
      %dma_start3A_68 = arith.constant 0 : i32
      %dma_start3A_69 = tpu.memref_slice %arg2[%dma_start3A_67, %dma_start3A_68] : memref<1000000x32xf32, #tpu.memory_space<hbm>> -> memref<1000000x32xf32, #tpu.memory_space<hbm>>
      tpu.enqueue_indirect_dma source(%dma_start3A_69 : memref<1000000x32xf32, #tpu.memory_space<hbm>>) target(%dma_start3A_63 : memref<128x32xf32, #tpu.memory_space<vmem>>) offsets(%dma_start3A_66 : memref<128xi32, #tpu.memory_space<vmem>>) semaphore(%arg15 : memref<!tpu.dma_semaphore, #tpu.memory_space<semaphore_mem>>)
      %add3A_70 = arith.constant 1 : i32
      %add3A_71 = arith.addi %add3A_15, %add3A_70 : i32
      %dma_start3A_72 = arith.constant 128 : i32
      %dma_start3A_73 = arith.constant 0 : i32
      %dma_start3A_74 = tpu.memref_slice %arg9[%dma_start3A_72, %dma_start3A_73] : memref<512x32xf32, #tpu.memory_space<vmem>> -> memref<128x32xf32, #tpu.memory_space<vmem>>
      %dma_start3A_75 = arith.constant 0 : i32
      %dma_start3A_76 = tpu.memref_slice %arg7[%add3A_71, %dma_start3A_75] : memref<200x128xi32, #tpu.memory_space<vmem>> -> memref<1x128xi32, #tpu.memory_space<vmem>>
      %dma_start3A_77 = tpu.memref_squeeze %dma_start3A_76 : memref<1x128xi32, #tpu.memory_space<vmem>> -> memref<128xi32, #tpu.memory_space<vmem>>
      %dma_start3A_78 = arith.constant 0 : i32
      %dma_start3A_79 = arith.constant 0 : i32
      %dma_start3A_80 = tpu.memref_slice %arg2[%dma_start3A_78, %dma_start3A_79] : memref<1000000x32xf32, #tpu.memory_space<hbm>> -> memref<1000000x32xf32, #tpu.memory_space<hbm>>
      tpu.enqueue_indirect_dma source(%dma_start3A_80 : memref<1000000x32xf32, #tpu.memory_space<hbm>>) target(%dma_start3A_74 : memref<128x32xf32, #tpu.memory_space<vmem>>) offsets(%dma_start3A_77 : memref<128xi32, #tpu.memory_space<vmem>>) semaphore(%arg15 : memref<!tpu.dma_semaphore, #tpu.memory_space<semaphore_mem>>)
      %add3A_81 = arith.constant 2 : i32
      %add3A_82 = arith.addi %add3A_15, %add3A_81 : i32
      %dma_start3A_83 = arith.constant 256 : i32
      %dma_start3A_84 = arith.constant 0 : i32
      %dma_start3A_85 = tpu.memref_slice %arg9[%dma_start3A_83, %dma_start3A_84] : memref<512x32xf32, #tpu.memory_space<vmem>> -> memref<128x32xf32, #tpu.memory_space<vmem>>
      %dma_start3A_86 = arith.constant 0 : i32
      %dma_start3A_87 = tpu.memref_slice %arg7[%add3A_82, %dma_start3A_86] : memref<200x128xi32, #tpu.memory_space<vmem>> -> memref<1x128xi32, #tpu.memory_space<vmem>>
      %dma_start3A_88 = tpu.memref_squeeze %dma_start3A_87 : memref<1x128xi32, #tpu.memory_space<vmem>> -> memref<128xi32, #tpu.memory_space<vmem>>
      %dma_start3A_89 = arith.constant 0 : i32
      %dma_start3A_90 = arith.constant 0 : i32
      %dma_start3A_91 = tpu.memref_slice %arg2[%dma_start3A_89, %dma_start3A_90] : memref<1000000x32xf32, #tpu.memory_space<hbm>> -> memref<1000000x32xf32, #tpu.memory_space<hbm>>
      tpu.enqueue_indirect_dma source(%dma_start3A_91 : memref<1000000x32xf32, #tpu.memory_space<hbm>>) target(%dma_start3A_85 : memref<128x32xf32, #tpu.memory_space<vmem>>) offsets(%dma_start3A_88 : memref<128xi32, #tpu.memory_space<vmem>>) semaphore(%arg15 : memref<!tpu.dma_semaphore, #tpu.memory_space<semaphore_mem>>)
      %add3A_92 = arith.constant 3 : i32
      %add3A_93 = arith.addi %add3A_15, %add3A_92 : i32
      %dma_start3A_94 = arith.constant 384 : i32
      %dma_start3A_95 = arith.constant 0 : i32
      %dma_start3A_96 = tpu.memref_slice %arg9[%dma_start3A_94, %dma_start3A_95] : memref<512x32xf32, #tpu.memory_space<vmem>> -> memref<128x32xf32, #tpu.memory_space<vmem>>
      %dma_start3A_97 = arith.constant 0 : i32
      %dma_start3A_98 = tpu.memref_slice %arg7[%add3A_93, %dma_start3A_97] : memref<200x128xi32, #tpu.memory_space<vmem>> -> memref<1x128xi32, #tpu.memory_space<vmem>>
      %dma_start3A_99 = tpu.memref_squeeze %dma_start3A_98 : memref<1x128xi32, #tpu.memory_space<vmem>> -> memref<128xi32, #tpu.memory_space<vmem>>
      %dma_start3A_100 = arith.constant 0 : i32
      %dma_start3A_101 = arith.constant 0 : i32
      %dma_start3A_102 = tpu.memref_slice %arg2[%dma_start3A_100, %dma_start3A_101] : memref<1000000x32xf32, #tpu.memory_space<hbm>> -> memref<1000000x32xf32, #tpu.memory_space<hbm>>
      tpu.enqueue_indirect_dma source(%dma_start3A_102 : memref<1000000x32xf32, #tpu.memory_space<hbm>>) target(%dma_start3A_96 : memref<128x32xf32, #tpu.memory_space<vmem>>) offsets(%dma_start3A_99 : memref<128xi32, #tpu.memory_space<vmem>>) semaphore(%arg15 : memref<!tpu.dma_semaphore, #tpu.memory_space<semaphore_mem>>)
      %dma_wait3A = arith.constant 0 : i32
      %dma_wait3A_103 = arith.constant 0 : i32
      %dma_wait3A_104 = tpu.memref_slice %arg8[%dma_wait3A, %dma_wait3A_103] : memref<512x32xf32, #tpu.memory_space<vmem>> -> memref<128x32xf32, #tpu.memory_space<vmem>>
      %dma_wait3A_105 = arith.constant 0 : i32
      %dma_wait3A_106 = tpu.memref_slice %arg7[%add3A_17, %dma_wait3A_105] : memref<200x128xi32, #tpu.memory_space<vmem>> -> memref<1x128xi32, #tpu.memory_space<vmem>>
      %dma_wait3A_107 = tpu.memref_squeeze %dma_wait3A_106 : memref<1x128xi32, #tpu.memory_space<vmem>> -> memref<128xi32, #tpu.memory_space<vmem>>
      %dma_wait3A_108 = arith.constant 0 : i32
      %dma_wait3A_109 = arith.constant 0 : i32
      %dma_wait3A_110 = tpu.memref_slice %arg2[%dma_wait3A_108, %dma_wait3A_109] : memref<1000000x32xf32, #tpu.memory_space<hbm>> -> memref<1000000x32xf32, #tpu.memory_space<hbm>>
      tpu.wait_indirect_dma semaphore(%arg14 : memref<!tpu.dma_semaphore, #tpu.memory_space<semaphore_mem>>) src(%dma_wait3A_110 : memref<1000000x32xf32, #tpu.memory_space<hbm>>) dst(%dma_wait3A_104 : memref<128x32xf32, #tpu.memory_space<vmem>>)
      %dma_wait3A_111 = arith.constant 128 : i32
      %dma_wait3A_112 = arith.constant 0 : i32
      %dma_wait3A_113 = tpu.memref_slice %arg8[%dma_wait3A_111, %dma_wait3A_112] : memref<512x32xf32, #tpu.memory_space<vmem>> -> memref<128x32xf32, #tpu.memory_space<vmem>>
      %dma_wait3A_114 = arith.constant 0 : i32
      %dma_wait3A_115 = tpu.memref_slice %arg7[%add3A_27, %dma_wait3A_114] : memref<200x128xi32, #tpu.memory_space<vmem>> -> memref<1x128xi32, #tpu.memory_space<vmem>>
      %dma_wait3A_116 = tpu.memref_squeeze %dma_wait3A_115 : memref<1x128xi32, #tpu.memory_space<vmem>> -> memref<128xi32, #tpu.memory_space<vmem>>
      %dma_wait3A_117 = arith.constant 0 : i32
      %dma_wait3A_118 = arith.constant 0 : i32
      %dma_wait3A_119 = tpu.memref_slice %arg2[%dma_wait3A_117, %dma_wait3A_118] : memref<1000000x32xf32, #tpu.memory_space<hbm>> -> memref<1000000x32xf32, #tpu.memory_space<hbm>>
      tpu.wait_indirect_dma semaphore(%arg14 : memref<!tpu.dma_semaphore, #tpu.memory_space<semaphore_mem>>) src(%dma_wait3A_119 : memref<1000000x32xf32, #tpu.memory_space<hbm>>) dst(%dma_wait3A_113 : memref<128x32xf32, #tpu.memory_space<vmem>>)
      %dma_wait3A_120 = arith.constant 256 : i32
      %dma_wait3A_121 = arith.constant 0 : i32
      %dma_wait3A_122 = tpu.memref_slice %arg8[%dma_wait3A_120, %dma_wait3A_121] : memref<512x32xf32, #tpu.memory_space<vmem>> -> memref<128x32xf32, #tpu.memory_space<vmem>>
      %dma_wait3A_123 = arith.constant 0 : i32
      %dma_wait3A_124 = tpu.memref_slice %arg7[%add3A_38, %dma_wait3A_123] : memref<200x128xi32, #tpu.memory_space<vmem>> -> memref<1x128xi32, #tpu.memory_space<vmem>>
      %dma_wait3A_125 = tpu.memref_squeeze %dma_wait3A_124 : memref<1x128xi32, #tpu.memory_space<vmem>> -> memref<128xi32, #tpu.memory_space<vmem>>
      %dma_wait3A_126 = arith.constant 0 : i32
      %dma_wait3A_127 = arith.constant 0 : i32
      %dma_wait3A_128 = tpu.memref_slice %arg2[%dma_wait3A_126, %dma_wait3A_127] : memref<1000000x32xf32, #tpu.memory_space<hbm>> -> memref<1000000x32xf32, #tpu.memory_space<hbm>>
      tpu.wait_indirect_dma semaphore(%arg14 : memref<!tpu.dma_semaphore, #tpu.memory_space<semaphore_mem>>) src(%dma_wait3A_128 : memref<1000000x32xf32, #tpu.memory_space<hbm>>) dst(%dma_wait3A_122 : memref<128x32xf32, #tpu.memory_space<vmem>>)
      %dma_wait3A_129 = arith.constant 384 : i32
      %dma_wait3A_130 = arith.constant 0 : i32
      %dma_wait3A_131 = tpu.memref_slice %arg8[%dma_wait3A_129, %dma_wait3A_130] : memref<512x32xf32, #tpu.memory_space<vmem>> -> memref<128x32xf32, #tpu.memory_space<vmem>>
      %dma_wait3A_132 = arith.constant 0 : i32
      %dma_wait3A_133 = tpu.memref_slice %arg7[%add3A_49, %dma_wait3A_132] : memref<200x128xi32, #tpu.memory_space<vmem>> -> memref<1x128xi32, #tpu.memory_space<vmem>>
      %dma_wait3A_134 = tpu.memref_squeeze %dma_wait3A_133 : memref<1x128xi32, #tpu.memory_space<vmem>> -> memref<128xi32, #tpu.memory_space<vmem>>
      %dma_wait3A_135 = arith.constant 0 : i32
      %dma_wait3A_136 = arith.constant 0 : i32
      %dma_wait3A_137 = tpu.memref_slice %arg2[%dma_wait3A_135, %dma_wait3A_136] : memref<1000000x32xf32, #tpu.memory_space<hbm>> -> memref<1000000x32xf32, #tpu.memory_space<hbm>>
      tpu.wait_indirect_dma semaphore(%arg14 : memref<!tpu.dma_semaphore, #tpu.memory_space<semaphore_mem>>) src(%dma_wait3A_137 : memref<1000000x32xf32, #tpu.memory_space<hbm>>) dst(%dma_wait3A_131 : memref<128x32xf32, #tpu.memory_space<vmem>>)
      %add3A_138 = arith.constant 0 : i32
      %add3A_139 = arith.addi %mul3A_13, %add3A_138 : i32
      %get3A_140 = arith.index_cast %add3A_139 : i32 to index
      %get3A_141 = arith.constant 0 : index
      %get3A_142 = tpu.vector_load %arg12[%get3A_140, %get3A_141] {strides = array<i32>} : memref<200x32xf32, #tpu.memory_space<vmem>>, vector<16xf32>,
      %get3A_143 = arith.index_cast %add3A_139 : i32 to index
      %get3A_144 = arith.constant 16 : index
      %get3A_145 = tpu.vector_load %arg12[%get3A_143, %get3A_144] {strides = array<i32>} : memref<200x32xf32, #tpu.memory_space<vmem>>, vector<16xf32>,
      %shift_right_arithmetic3A = arith.constant 3 : i32
      %shift_right_arithmetic3A_146 = vector.broadcast %shift_right_arithmetic3A : i32 to vector<16xi32>
      %shift_right_arithmetic3A_147 = arith.shrsi %iota3A, %shift_right_arithmetic3A_146 : vector<16xi32>
      %add3A_148 = arith.constant 0 : i32
      %add3A_149 = vector.broadcast %add3A_148 : i32 to vector<16xi32>
      %add3A_150 = arith.addi %shift_right_arithmetic3A_147, %add3A_149 : vector<16xi32>
      %add3A_151 = arith.constant 2 : i32
      %add3A_152 = vector.broadcast %add3A_151 : i32 to vector<16xi32>
      %add3A_153 = arith.addi %add3A_150, %add3A_152 : vector<16xi32>
      %parallel_loop3A = arith.constant 0 : i32
      %parallel_loop3A_154 = arith.constant 128 : i32
      %parallel_loop3A_155 = arith.constant 1 : i32
      scf.for %parallel_loop3A_388 = %parallel_loop3A to %parallel_loop3A_154 step %parallel_loop3A_155  : i32 {
        %parallel_loop3A_389 = arith.constant 0 : i32
        %parallel_loop3A_390 = arith.addi %parallel_loop3A_389, %parallel_loop3A_388 : i32
        %parallel_loop3A_391 = vector.broadcast %parallel_loop3A_388 : i32 to vector<16xi32>
        %parallel_loop3A_392 = arith.index_cast %parallel_loop3A_390 : i32 to index
        %parallel_loop3A_393 = arith.constant 0 : index
        %parallel_loop3A_394 = tpu.vector_load %arg8[%parallel_loop3A_392, %parallel_loop3A_393] {strides = array<i32>} : memref<512x32xf32, #tpu.memory_space<vmem>>, vector<16xf32>,
        %parallel_loop3A_395 = arith.mulf %parallel_loop3A_394, %get3A_3 : vector<16xf32>
        %parallel_loop3A_396 = arith.addf %parallel_loop3A_395, %get3A_142 : vector<16xf32>
        %parallel_loop3A_397 = arith.index_cast %parallel_loop3A_390 : i32 to index
        %parallel_loop3A_398 = arith.constant 16 : index
        %parallel_loop3A_399 = tpu.vector_load %arg8[%parallel_loop3A_397, %parallel_loop3A_398] {strides = array<i32>} : memref<512x32xf32, #tpu.memory_space<vmem>>, vector<16xf32>,
        %parallel_loop3A_400 = arith.mulf %parallel_loop3A_399, %get3A_3 : vector<16xf32>
        %parallel_loop3A_401 = arith.addf %parallel_loop3A_400, %get3A_145 : vector<16xf32>
        tpu.vector_store_idx %arg10[%add3A_150, %and3A_5, %parallel_loop3A_391], %parallel_loop3A_396 : memref<16x8x129xf32, #tpu.memory_space<vmem>>[vector<16xi32>, vector<16xi32>, vector<16xi32>], vector<16xf32>,
        tpu.vector_store_idx %arg10[%add3A_153, %and3A_5, %parallel_loop3A_391], %parallel_loop3A_401 : memref<16x8x129xf32, #tpu.memory_space<vmem>>[vector<16xi32>, vector<16xi32>, vector<16xi32>], vector<16xf32>,
      } {sc.loop_unroll_factor = 2 : i64, sc.parallel_access}
      %add3A_156 = arith.constant 1 : i32
      %add3A_157 = arith.addi %mul3A_13, %add3A_156 : i32
      %get3A_158 = arith.index_cast %add3A_157 : i32 to index
      %get3A_159 = arith.constant 0 : index
      %get3A_160 = tpu.vector_load %arg12[%get3A_158, %get3A_159] {strides = array<i32>} : memref<200x32xf32, #tpu.memory_space<vmem>>, vector<16xf32>,
      %get3A_161 = arith.index_cast %add3A_157 : i32 to index
      %get3A_162 = arith.constant 16 : index
      %get3A_163 = tpu.vector_load %arg12[%get3A_161, %get3A_162] {strides = array<i32>} : memref<200x32xf32, #tpu.memory_space<vmem>>, vector<16xf32>,
      %shift_right_arithmetic3A_164 = arith.constant 3 : i32
      %shift_right_arithmetic3A_165 = vector.broadcast %shift_right_arithmetic3A_164 : i32 to vector<16xi32>
      %shift_right_arithmetic3A_166 = arith.shrsi %iota3A, %shift_right_arithmetic3A_165 : vector<16xi32>
      %add3A_167 = arith.constant 4 : i32
      %add3A_168 = vector.broadcast %add3A_167 : i32 to vector<16xi32>
      %add3A_169 = arith.addi %shift_right_arithmetic3A_166, %add3A_168 : vector<16xi32>
      %add3A_170 = arith.constant 2 : i32
      %add3A_171 = vector.broadcast %add3A_170 : i32 to vector<16xi32>
      %add3A_172 = arith.addi %add3A_169, %add3A_171 : vector<16xi32>
      %parallel_loop3A_173 = arith.constant 0 : i32
      %parallel_loop3A_174 = arith.constant 128 : i32
      %parallel_loop3A_175 = arith.constant 1 : i32
      scf.for %parallel_loop3A_388 = %parallel_loop3A_173 to %parallel_loop3A_174 step %parallel_loop3A_175  : i32 {
        %parallel_loop3A_389 = arith.constant 128 : i32
        %parallel_loop3A_390 = arith.addi %parallel_loop3A_389, %parallel_loop3A_388 : i32
        %parallel_loop3A_391 = vector.broadcast %parallel_loop3A_388 : i32 to vector<16xi32>
        %parallel_loop3A_392 = arith.index_cast %parallel_loop3A_390 : i32 to index
        %parallel_loop3A_393 = arith.constant 0 : index
        %parallel_loop3A_394 = tpu.vector_load %arg8[%parallel_loop3A_392, %parallel_loop3A_393] {strides = array<i32>} : memref<512x32xf32, #tpu.memory_space<vmem>>, vector<16xf32>,
        %parallel_loop3A_395 = arith.mulf %parallel_loop3A_394, %get3A_3 : vector<16xf32>
        %parallel_loop3A_396 = arith.addf %parallel_loop3A_395, %get3A_160 : vector<16xf32>
        %parallel_loop3A_397 = arith.index_cast %parallel_loop3A_390 : i32 to index
        %parallel_loop3A_398 = arith.constant 16 : index
        %parallel_loop3A_399 = tpu.vector_load %arg8[%parallel_loop3A_397, %parallel_loop3A_398] {strides = array<i32>} : memref<512x32xf32, #tpu.memory_space<vmem>>, vector<16xf32>,
        %parallel_loop3A_400 = arith.mulf %parallel_loop3A_399, %get3A_3 : vector<16xf32>
        %parallel_loop3A_401 = arith.addf %parallel_loop3A_400, %get3A_163 : vector<16xf32>
        tpu.vector_store_idx %arg10[%add3A_169, %and3A_5, %parallel_loop3A_391], %parallel_loop3A_396 : memref<16x8x129xf32, #tpu.memory_space<vmem>>[vector<16xi32>, vector<16xi32>, vector<16xi32>], vector<16xf32>,
        tpu.vector_store_idx %arg10[%add3A_172, %and3A_5, %parallel_loop3A_391], %parallel_loop3A_401 : memref<16x8x129xf32, #tpu.memory_space<vmem>>[vector<16xi32>, vector<16xi32>, vector<16xi32>], vector<16xf32>,
      } {sc.loop_unroll_factor = 2 : i64, sc.parallel_access}
      %add3A_176 = arith.constant 2 : i32
      %add3A_177 = arith.addi %mul3A_13, %add3A_176 : i32
      %get3A_178 = arith.index_cast %add3A_177 : i32 to index
      %get3A_179 = arith.constant 0 : index
      %get3A_180 = tpu.vector_load %arg12[%get3A_178, %get3A_179] {strides = array<i32>} : memref<200x32xf32, #tpu.memory_space<vmem>>, vector<16xf32>,
      %get3A_181 = arith.index_cast %add3A_177 : i32 to index
      %get3A_182 = arith.constant 16 : index
      %get3A_183 = tpu.vector_load %arg12[%get3A_181, %get3A_182] {strides = array<i32>} : memref<200x32xf32, #tpu.memory_space<vmem>>, vector<16xf32>,
      %shift_right_arithmetic3A_184 = arith.constant 3 : i32
      %shift_right_arithmetic3A_185 = vector.broadcast %shift_right_arithmetic3A_184 : i32 to vector<16xi32>
      %shift_right_arithmetic3A_186 = arith.shrsi %iota3A, %shift_right_arithmetic3A_185 : vector<16xi32>
      %add3A_187 = arith.constant 8 : i32
      %add3A_188 = vector.broadcast %add3A_187 : i32 to vector<16xi32>
      %add3A_189 = arith.addi %shift_right_arithmetic3A_186, %add3A_188 : vector<16xi32>
      %add3A_190 = arith.constant 2 : i32
      %add3A_191 = vector.broadcast %add3A_190 : i32 to vector<16xi32>
      %add3A_192 = arith.addi %add3A_189, %add3A_191 : vector<16xi32>
      %parallel_loop3A_193 = arith.constant 0 : i32
      %parallel_loop3A_194 = arith.constant 128 : i32
      %parallel_loop3A_195 = arith.constant 1 : i32
      scf.for %parallel_loop3A_388 = %parallel_loop3A_193 to %parallel_loop3A_194 step %parallel_loop3A_195  : i32 {
        %parallel_loop3A_389 = arith.constant 256 : i32
        %parallel_loop3A_390 = arith.addi %parallel_loop3A_389, %parallel_loop3A_388 : i32
        %parallel_loop3A_391 = vector.broadcast %parallel_loop3A_388 : i32 to vector<16xi32>
        %parallel_loop3A_392 = arith.index_cast %parallel_loop3A_390 : i32 to index
        %parallel_loop3A_393 = arith.constant 0 : index
        %parallel_loop3A_394 = tpu.vector_load %arg8[%parallel_loop3A_392, %parallel_loop3A_393] {strides = array<i32>} : memref<512x32xf32, #tpu.memory_space<vmem>>, vector<16xf32>,
        %parallel_loop3A_395 = arith.mulf %parallel_loop3A_394, %get3A_3 : vector<16xf32>
        %parallel_loop3A_396 = arith.addf %parallel_loop3A_395, %get3A_180 : vector<16xf32>
        %parallel_loop3A_397 = arith.index_cast %parallel_loop3A_390 : i32 to index
        %parallel_loop3A_398 = arith.constant 16 : index
        %parallel_loop3A_399 = tpu.vector_load %arg8[%parallel_loop3A_397, %parallel_loop3A_398] {strides = array<i32>} : memref<512x32xf32, #tpu.memory_space<vmem>>, vector<16xf32>,
        %parallel_loop3A_400 = arith.mulf %parallel_loop3A_399, %get3A_3 : vector<16xf32>
        %parallel_loop3A_401 = arith.addf %parallel_loop3A_400, %get3A_183 : vector<16xf32>
        tpu.vector_store_idx %arg10[%add3A_189, %and3A_5, %parallel_loop3A_391], %parallel_loop3A_396 : memref<16x8x129xf32, #tpu.memory_space<vmem>>[vector<16xi32>, vector<16xi32>, vector<16xi32>], vector<16xf32>,
        tpu.vector_store_idx %arg10[%add3A_192, %and3A_5, %parallel_loop3A_391], %parallel_loop3A_401 : memref<16x8x129xf32, #tpu.memory_space<vmem>>[vector<16xi32>, vector<16xi32>, vector<16xi32>], vector<16xf32>,
      } {sc.loop_unroll_factor = 2 : i64, sc.parallel_access}
      %add3A_196 = arith.constant 3 : i32
      %add3A_197 = arith.addi %mul3A_13, %add3A_196 : i32
      %get3A_198 = arith.index_cast %add3A_197 : i32 to index
      %get3A_199 = arith.constant 0 : index
      %get3A_200 = tpu.vector_load %arg12[%get3A_198, %get3A_199] {strides = array<i32>} : memref<200x32xf32, #tpu.memory_space<vmem>>, vector<16xf32>,
      %get3A_201 = arith.index_cast %add3A_197 : i32 to index
      %get3A_202 = arith.constant 16 : index
      %get3A_203 = tpu.vector_load %arg12[%get3A_201, %get3A_202] {strides = array<i32>} : memref<200x32xf32, #tpu.memory_space<vmem>>, vector<16xf32>,
      %shift_right_arithmetic3A_204 = arith.constant 3 : i32
      %shift_right_arithmetic3A_205 = vector.broadcast %shift_right_arithmetic3A_204 : i32 to vector<16xi32>
      %shift_right_arithmetic3A_206 = arith.shrsi %iota3A, %shift_right_arithmetic3A_205 : vector<16xi32>
      %add3A_207 = arith.constant 12 : i32
      %add3A_208 = vector.broadcast %add3A_207 : i32 to vector<16xi32>
      %add3A_209 = arith.addi %shift_right_arithmetic3A_206, %add3A_208 : vector<16xi32>
      %add3A_210 = arith.constant 2 : i32
      %add3A_211 = vector.broadcast %add3A_210 : i32 to vector<16xi32>
      %add3A_212 = arith.addi %add3A_209, %add3A_211 : vector<16xi32>
      %parallel_loop3A_213 = arith.constant 0 : i32
      %parallel_loop3A_214 = arith.constant 128 : i32
      %parallel_loop3A_215 = arith.constant 1 : i32
      scf.for %parallel_loop3A_388 = %parallel_loop3A_213 to %parallel_loop3A_214 step %parallel_loop3A_215  : i32 {
        %parallel_loop3A_389 = arith.constant 384 : i32
        %parallel_loop3A_390 = arith.addi %parallel_loop3A_389, %parallel_loop3A_388 : i32
        %parallel_loop3A_391 = vector.broadcast %parallel_loop3A_388 : i32 to vector<16xi32>
        %parallel_loop3A_392 = arith.index_cast %parallel_loop3A_390 : i32 to index
        %parallel_loop3A_393 = arith.constant 0 : index
        %parallel_loop3A_394 = tpu.vector_load %arg8[%parallel_loop3A_392, %parallel_loop3A_393] {strides = array<i32>} : memref<512x32xf32, #tpu.memory_space<vmem>>, vector<16xf32>,
        %parallel_loop3A_395 = arith.mulf %parallel_loop3A_394, %get3A_3 : vector<16xf32>
        %parallel_loop3A_396 = arith.addf %parallel_loop3A_395, %get3A_200 : vector<16xf32>
        %parallel_loop3A_397 = arith.index_cast %parallel_loop3A_390 : i32 to index
        %parallel_loop3A_398 = arith.constant 16 : index
        %parallel_loop3A_399 = tpu.vector_load %arg8[%parallel_loop3A_397, %parallel_loop3A_398] {strides = array<i32>} : memref<512x32xf32, #tpu.memory_space<vmem>>, vector<16xf32>,
        %parallel_loop3A_400 = arith.mulf %parallel_loop3A_399, %get3A_3 : vector<16xf32>
        %parallel_loop3A_401 = arith.addf %parallel_loop3A_400, %get3A_203 : vector<16xf32>
        tpu.vector_store_idx %arg10[%add3A_209, %and3A_5, %parallel_loop3A_391], %parallel_loop3A_396 : memref<16x8x129xf32, #tpu.memory_space<vmem>>[vector<16xi32>, vector<16xi32>, vector<16xi32>], vector<16xf32>,
        tpu.vector_store_idx %arg10[%add3A_212, %and3A_5, %parallel_loop3A_391], %parallel_loop3A_401 : memref<16x8x129xf32, #tpu.memory_space<vmem>>[vector<16xi32>, vector<16xi32>, vector<16xi32>], vector<16xf32>,
      } {sc.loop_unroll_factor = 2 : i64, sc.parallel_access}
      %mul3A_216 = arith.constant 4 : i32
      %mul3A_217 = arith.muli %mul3A_13, %mul3A_216 : i32
      %mul3A_218 = arith.constant 8 : i32
      %mul3A_219 = arith.muli %add3A, %mul3A_218 : i32
      %dma_start3A_220 = arith.constant 0 : i32
      %dma_start3A_221 = arith.constant 0 : i32
      %dma_start3A_222 = arith.constant 0 : i32
      %dma_start3A_223 = tpu.memref_slice %arg10[%dma_start3A_220, %dma_start3A_221, %dma_start3A_222] : memref<16x8x129xf32, #tpu.memory_space<vmem>> -> memref<16x8x128xf32, #tpu.memory_space<vmem>>
      %dma_start3A_224 = arith.constant 0 : i32
      %dma_start3A_225 = tpu.memref_slice %arg6[%mul3A_217, %mul3A_219, %dma_start3A_224] : memref<800x256x128xf32, #tpu.memory_space<hbm>> -> memref<16x8x128xf32, #tpu.memory_space<hbm>>
      %dma_start3A_226 = arith.constant 0 : i32
      %dma_start3A_227 = tpu.memref_slice %arg6[%mul3A_217, %mul3A_219, %dma_start3A_226] : memref<800x256x128xf32, #tpu.memory_space<hbm>> -> memref<16x8x128xf32, #tpu.memory_space<hbm>>
      %dma_start3A_228 = arith.constant 0 : i32
      %dma_start3A_229 = arith.constant 0 : i32
      %dma_start3A_230 = arith.constant 0 : i32
      %dma_start3A_231 = tpu.memref_slice %arg10[%dma_start3A_228, %dma_start3A_229, %dma_start3A_230] : memref<16x8x129xf32, #tpu.memory_space<vmem>> -> memref<16x8x128xf32, #tpu.memory_space<vmem>>
      tpu.enqueue_dma source(%dma_start3A_231 : memref<16x8x128xf32, #tpu.memory_space<vmem>>) target(%dma_start3A_227 : memref<16x8x128xf32, #tpu.memory_space<hbm>>) target_semaphore(%arg16 : memref<!tpu.dma_semaphore, #tpu.memory_space<semaphore_mem>>)
      %dma_wait3A_232 = arith.constant 0 : i32
      %dma_wait3A_233 = arith.constant 0 : i32
      %dma_wait3A_234 = tpu.memref_slice %arg9[%dma_wait3A_232, %dma_wait3A_233] : memref<512x32xf32, #tpu.memory_space<vmem>> -> memref<128x32xf32, #tpu.memory_space<vmem>>
      %dma_wait3A_235 = arith.constant 0 : i32
      %dma_wait3A_236 = tpu.memref_slice %arg7[%add3A_60, %dma_wait3A_235] : memref<200x128xi32, #tpu.memory_space<vmem>> -> memref<1x128xi32, #tpu.memory_space<vmem>>
      %dma_wait3A_237 = tpu.memref_squeeze %dma_wait3A_236 : memref<1x128xi32, #tpu.memory_space<vmem>> -> memref<128xi32, #tpu.memory_space<vmem>>
      %dma_wait3A_238 = arith.constant 0 : i32
      %dma_wait3A_239 = arith.constant 0 : i32
      %dma_wait3A_240 = tpu.memref_slice %arg2[%dma_wait3A_238, %dma_wait3A_239] : memref<1000000x32xf32, #tpu.memory_space<hbm>> -> memref<1000000x32xf32, #tpu.memory_space<hbm>>
      tpu.wait_indirect_dma semaphore(%arg15 : memref<!tpu.dma_semaphore, #tpu.memory_space<semaphore_mem>>) src(%dma_wait3A_240 : memref<1000000x32xf32, #tpu.memory_space<hbm>>) dst(%dma_wait3A_234 : memref<128x32xf32, #tpu.memory_space<vmem>>)
      %dma_wait3A_241 = arith.constant 128 : i32
      %dma_wait3A_242 = arith.constant 0 : i32
      %dma_wait3A_243 = tpu.memref_slice %arg9[%dma_wait3A_241, %dma_wait3A_242] : memref<512x32xf32, #tpu.memory_space<vmem>> -> memref<128x32xf32, #tpu.memory_space<vmem>>
      %dma_wait3A_244 = arith.constant 0 : i32
      %dma_wait3A_245 = tpu.memref_slice %arg7[%add3A_71, %dma_wait3A_244] : memref<200x128xi32, #tpu.memory_space<vmem>> -> memref<1x128xi32, #tpu.memory_space<vmem>>
      %dma_wait3A_246 = tpu.memref_squeeze %dma_wait3A_245 : memref<1x128xi32, #tpu.memory_space<vmem>> -> memref<128xi32, #tpu.memory_space<vmem>>
      %dma_wait3A_247 = arith.constant 0 : i32
      %dma_wait3A_248 = arith.constant 0 : i32
      %dma_wait3A_249 = tpu.memref_slice %arg2[%dma_wait3A_247, %dma_wait3A_248] : memref<1000000x32xf32, #tpu.memory_space<hbm>> -> memref<1000000x32xf32, #tpu.memory_space<hbm>>
      tpu.wait_indirect_dma semaphore(%arg15 : memref<!tpu.dma_semaphore, #tpu.memory_space<semaphore_mem>>) src(%dma_wait3A_249 : memref<1000000x32xf32, #tpu.memory_space<hbm>>) dst(%dma_wait3A_243 : memref<128x32xf32, #tpu.memory_space<vmem>>)
      %dma_wait3A_250 = arith.constant 256 : i32
      %dma_wait3A_251 = arith.constant 0 : i32
      %dma_wait3A_252 = tpu.memref_slice %arg9[%dma_wait3A_250, %dma_wait3A_251] : memref<512x32xf32, #tpu.memory_space<vmem>> -> memref<128x32xf32, #tpu.memory_space<vmem>>
      %dma_wait3A_253 = arith.constant 0 : i32
      %dma_wait3A_254 = tpu.memref_slice %arg7[%add3A_82, %dma_wait3A_253] : memref<200x128xi32, #tpu.memory_space<vmem>> -> memref<1x128xi32, #tpu.memory_space<vmem>>
      %dma_wait3A_255 = tpu.memref_squeeze %dma_wait3A_254 : memref<1x128xi32, #tpu.memory_space<vmem>> -> memref<128xi32, #tpu.memory_space<vmem>>
      %dma_wait3A_256 = arith.constant 0 : i32
      %dma_wait3A_257 = arith.constant 0 : i32
      %dma_wait3A_258 = tpu.memref_slice %arg2[%dma_wait3A_256, %dma_wait3A_257] : memref<1000000x32xf32, #tpu.memory_space<hbm>> -> memref<1000000x32xf32, #tpu.memory_space<hbm>>
      tpu.wait_indirect_dma semaphore(%arg15 : memref<!tpu.dma_semaphore, #tpu.memory_space<semaphore_mem>>) src(%dma_wait3A_258 : memref<1000000x32xf32, #tpu.memory_space<hbm>>) dst(%dma_wait3A_252 : memref<128x32xf32, #tpu.memory_space<vmem>>)
      %dma_wait3A_259 = arith.constant 384 : i32
      %dma_wait3A_260 = arith.constant 0 : i32
      %dma_wait3A_261 = tpu.memref_slice %arg9[%dma_wait3A_259, %dma_wait3A_260] : memref<512x32xf32, #tpu.memory_space<vmem>> -> memref<128x32xf32, #tpu.memory_space<vmem>>
      %dma_wait3A_262 = arith.constant 0 : i32
      %dma_wait3A_263 = tpu.memref_slice %arg7[%add3A_93, %dma_wait3A_262] : memref<200x128xi32, #tpu.memory_space<vmem>> -> memref<1x128xi32, #tpu.memory_space<vmem>>
      %dma_wait3A_264 = tpu.memref_squeeze %dma_wait3A_263 : memref<1x128xi32, #tpu.memory_space<vmem>> -> memref<128xi32, #tpu.memory_space<vmem>>
      %dma_wait3A_265 = arith.constant 0 : i32
      %dma_wait3A_266 = arith.constant 0 : i32
      %dma_wait3A_267 = tpu.memref_slice %arg2[%dma_wait3A_265, %dma_wait3A_266] : memref<1000000x32xf32, #tpu.memory_space<hbm>> -> memref<1000000x32xf32, #tpu.memory_space<hbm>>
      tpu.wait_indirect_dma semaphore(%arg15 : memref<!tpu.dma_semaphore, #tpu.memory_space<semaphore_mem>>) src(%dma_wait3A_267 : memref<1000000x32xf32, #tpu.memory_space<hbm>>) dst(%dma_wait3A_261 : memref<128x32xf32, #tpu.memory_space<vmem>>)
      %add3A_268 = arith.constant 0 : i32
      %add3A_269 = arith.addi %add3A_15, %add3A_268 : i32
      %get3A_270 = arith.index_cast %add3A_269 : i32 to index
      %get3A_271 = arith.constant 0 : index
      %get3A_272 = tpu.vector_load %arg12[%get3A_270, %get3A_271] {strides = array<i32>} : memref<200x32xf32, #tpu.memory_space<vmem>>, vector<16xf32>,
      %get3A_273 = arith.index_cast %add3A_269 : i32 to index
      %get3A_274 = arith.constant 16 : index
      %get3A_275 = tpu.vector_load %arg12[%get3A_273, %get3A_274] {strides = array<i32>} : memref<200x32xf32, #tpu.memory_space<vmem>>, vector<16xf32>,
      %shift_right_arithmetic3A_276 = arith.constant 3 : i32
      %shift_right_arithmetic3A_277 = vector.broadcast %shift_right_arithmetic3A_276 : i32 to vector<16xi32>
      %shift_right_arithmetic3A_278 = arith.shrsi %iota3A, %shift_right_arithmetic3A_277 : vector<16xi32>
      %add3A_279 = arith.constant 0 : i32
      %add3A_280 = vector.broadcast %add3A_279 : i32 to vector<16xi32>
      %add3A_281 = arith.addi %shift_right_arithmetic3A_278, %add3A_280 : vector<16xi32>
      %add3A_282 = arith.constant 2 : i32
      %add3A_283 = vector.broadcast %add3A_282 : i32 to vector<16xi32>
      %add3A_284 = arith.addi %add3A_281, %add3A_283 : vector<16xi32>
      %parallel_loop3A_285 = arith.constant 0 : i32
      %parallel_loop3A_286 = arith.constant 128 : i32
      %parallel_loop3A_287 = arith.constant 1 : i32
      scf.for %parallel_loop3A_388 = %parallel_loop3A_285 to %parallel_loop3A_286 step %parallel_loop3A_287  : i32 {
        %parallel_loop3A_389 = arith.constant 0 : i32
        %parallel_loop3A_390 = arith.addi %parallel_loop3A_389, %parallel_loop3A_388 : i32
        %parallel_loop3A_391 = vector.broadcast %parallel_loop3A_388 : i32 to vector<16xi32>
        %parallel_loop3A_392 = arith.index_cast %parallel_loop3A_390 : i32 to index
        %parallel_loop3A_393 = arith.constant 0 : index
        %parallel_loop3A_394 = tpu.vector_load %arg9[%parallel_loop3A_392, %parallel_loop3A_393] {strides = array<i32>} : memref<512x32xf32, #tpu.memory_space<vmem>>, vector<16xf32>,
        %parallel_loop3A_395 = arith.mulf %parallel_loop3A_394, %get3A_3 : vector<16xf32>
        %parallel_loop3A_396 = arith.addf %parallel_loop3A_395, %get3A_272 : vector<16xf32>
        %parallel_loop3A_397 = arith.index_cast %parallel_loop3A_390 : i32 to index
        %parallel_loop3A_398 = arith.constant 16 : index
        %parallel_loop3A_399 = tpu.vector_load %arg9[%parallel_loop3A_397, %parallel_loop3A_398] {strides = array<i32>} : memref<512x32xf32, #tpu.memory_space<vmem>>, vector<16xf32>,
        %parallel_loop3A_400 = arith.mulf %parallel_loop3A_399, %get3A_3 : vector<16xf32>
        %parallel_loop3A_401 = arith.addf %parallel_loop3A_400, %get3A_275 : vector<16xf32>
        tpu.vector_store_idx %arg11[%add3A_281, %and3A_5, %parallel_loop3A_391], %parallel_loop3A_396 : memref<16x8x129xf32, #tpu.memory_space<vmem>>[vector<16xi32>, vector<16xi32>, vector<16xi32>], vector<16xf32>,
        tpu.vector_store_idx %arg11[%add3A_284, %and3A_5, %parallel_loop3A_391], %parallel_loop3A_401 : memref<16x8x129xf32, #tpu.memory_space<vmem>>[vector<16xi32>, vector<16xi32>, vector<16xi32>], vector<16xf32>,
      } {sc.loop_unroll_factor = 2 : i64, sc.parallel_access}
      %add3A_288 = arith.constant 1 : i32
      %add3A_289 = arith.addi %add3A_15, %add3A_288 : i32
      %get3A_290 = arith.index_cast %add3A_289 : i32 to index
      %get3A_291 = arith.constant 0 : index
      %get3A_292 = tpu.vector_load %arg12[%get3A_290, %get3A_291] {strides = array<i32>} : memref<200x32xf32, #tpu.memory_space<vmem>>, vector<16xf32>,
      %get3A_293 = arith.index_cast %add3A_289 : i32 to index
      %get3A_294 = arith.constant 16 : index
      %get3A_295 = tpu.vector_load %arg12[%get3A_293, %get3A_294] {strides = array<i32>} : memref<200x32xf32, #tpu.memory_space<vmem>>, vector<16xf32>,
      %shift_right_arithmetic3A_296 = arith.constant 3 : i32
      %shift_right_arithmetic3A_297 = vector.broadcast %shift_right_arithmetic3A_296 : i32 to vector<16xi32>
      %shift_right_arithmetic3A_298 = arith.shrsi %iota3A, %shift_right_arithmetic3A_297 : vector<16xi32>
      %add3A_299 = arith.constant 4 : i32
      %add3A_300 = vector.broadcast %add3A_299 : i32 to vector<16xi32>
      %add3A_301 = arith.addi %shift_right_arithmetic3A_298, %add3A_300 : vector<16xi32>
      %add3A_302 = arith.constant 2 : i32
      %add3A_303 = vector.broadcast %add3A_302 : i32 to vector<16xi32>
      %add3A_304 = arith.addi %add3A_301, %add3A_303 : vector<16xi32>
      %parallel_loop3A_305 = arith.constant 0 : i32
      %parallel_loop3A_306 = arith.constant 128 : i32
      %parallel_loop3A_307 = arith.constant 1 : i32
      scf.for %parallel_loop3A_388 = %parallel_loop3A_305 to %parallel_loop3A_306 step %parallel_loop3A_307  : i32 {
        %parallel_loop3A_389 = arith.constant 128 : i32
        %parallel_loop3A_390 = arith.addi %parallel_loop3A_389, %parallel_loop3A_388 : i32
        %parallel_loop3A_391 = vector.broadcast %parallel_loop3A_388 : i32 to vector<16xi32>
        %parallel_loop3A_392 = arith.index_cast %parallel_loop3A_390 : i32 to index
        %parallel_loop3A_393 = arith.constant 0 : index
        %parallel_loop3A_394 = tpu.vector_load %arg9[%parallel_loop3A_392, %parallel_loop3A_393] {strides = array<i32>} : memref<512x32xf32, #tpu.memory_space<vmem>>, vector<16xf32>,
        %parallel_loop3A_395 = arith.mulf %parallel_loop3A_394, %get3A_3 : vector<16xf32>
        %parallel_loop3A_396 = arith.addf %parallel_loop3A_395, %get3A_292 : vector<16xf32>
        %parallel_loop3A_397 = arith.index_cast %parallel_loop3A_390 : i32 to index
        %parallel_loop3A_398 = arith.constant 16 : index
        %parallel_loop3A_399 = tpu.vector_load %arg9[%parallel_loop3A_397, %parallel_loop3A_398] {strides = array<i32>} : memref<512x32xf32, #tpu.memory_space<vmem>>, vector<16xf32>,
        %parallel_loop3A_400 = arith.mulf %parallel_loop3A_399, %get3A_3 : vector<16xf32>
        %parallel_loop3A_401 = arith.addf %parallel_loop3A_400, %get3A_295 : vector<16xf32>
        tpu.vector_store_idx %arg11[%add3A_301, %and3A_5, %parallel_loop3A_391], %parallel_loop3A_396 : memref<16x8x129xf32, #tpu.memory_space<vmem>>[vector<16xi32>, vector<16xi32>, vector<16xi32>], vector<16xf32>,
        tpu.vector_store_idx %arg11[%add3A_304, %and3A_5, %parallel_loop3A_391], %parallel_loop3A_401 : memref<16x8x129xf32, #tpu.memory_space<vmem>>[vector<16xi32>, vector<16xi32>, vector<16xi32>], vector<16xf32>,
      } {sc.loop_unroll_factor = 2 : i64, sc.parallel_access}
      %add3A_308 = arith.constant 2 : i32
      %add3A_309 = arith.addi %add3A_15, %add3A_308 : i32
      %get3A_310 = arith.index_cast %add3A_309 : i32 to index
      %get3A_311 = arith.constant 0 : index
      %get3A_312 = tpu.vector_load %arg12[%get3A_310, %get3A_311] {strides = array<i32>} : memref<200x32xf32, #tpu.memory_space<vmem>>, vector<16xf32>,
      %get3A_313 = arith.index_cast %add3A_309 : i32 to index
      %get3A_314 = arith.constant 16 : index
      %get3A_315 = tpu.vector_load %arg12[%get3A_313, %get3A_314] {strides = array<i32>} : memref<200x32xf32, #tpu.memory_space<vmem>>, vector<16xf32>,
      %shift_right_arithmetic3A_316 = arith.constant 3 : i32
      %shift_right_arithmetic3A_317 = vector.broadcast %shift_right_arithmetic3A_316 : i32 to vector<16xi32>
      %shift_right_arithmetic3A_318 = arith.shrsi %iota3A, %shift_right_arithmetic3A_317 : vector<16xi32>
      %add3A_319 = arith.constant 8 : i32
      %add3A_320 = vector.broadcast %add3A_319 : i32 to vector<16xi32>
      %add3A_321 = arith.addi %shift_right_arithmetic3A_318, %add3A_320 : vector<16xi32>
      %add3A_322 = arith.constant 2 : i32
      %add3A_323 = vector.broadcast %add3A_322 : i32 to vector<16xi32>
      %add3A_324 = arith.addi %add3A_321, %add3A_323 : vector<16xi32>
      %parallel_loop3A_325 = arith.constant 0 : i32
      %parallel_loop3A_326 = arith.constant 128 : i32
      %parallel_loop3A_327 = arith.constant 1 : i32
      scf.for %parallel_loop3A_388 = %parallel_loop3A_325 to %parallel_loop3A_326 step %parallel_loop3A_327  : i32 {
        %parallel_loop3A_389 = arith.constant 256 : i32
        %parallel_loop3A_390 = arith.addi %parallel_loop3A_389, %parallel_loop3A_388 : i32
        %parallel_loop3A_391 = vector.broadcast %parallel_loop3A_388 : i32 to vector<16xi32>
        %parallel_loop3A_392 = arith.index_cast %parallel_loop3A_390 : i32 to index
        %parallel_loop3A_393 = arith.constant 0 : index
        %parallel_loop3A_394 = tpu.vector_load %arg9[%parallel_loop3A_392, %parallel_loop3A_393] {strides = array<i32>} : memref<512x32xf32, #tpu.memory_space<vmem>>, vector<16xf32>,
        %parallel_loop3A_395 = arith.mulf %parallel_loop3A_394, %get3A_3 : vector<16xf32>
        %parallel_loop3A_396 = arith.addf %parallel_loop3A_395, %get3A_312 : vector<16xf32>
        %parallel_loop3A_397 = arith.index_cast %parallel_loop3A_390 : i32 to index
        %parallel_loop3A_398 = arith.constant 16 : index
        %parallel_loop3A_399 = tpu.vector_load %arg9[%parallel_loop3A_397, %parallel_loop3A_398] {strides = array<i32>} : memref<512x32xf32, #tpu.memory_space<vmem>>, vector<16xf32>,
        %parallel_loop3A_400 = arith.mulf %parallel_loop3A_399, %get3A_3 : vector<16xf32>
        %parallel_loop3A_401 = arith.addf %parallel_loop3A_400, %get3A_315 : vector<16xf32>
        tpu.vector_store_idx %arg11[%add3A_321, %and3A_5, %parallel_loop3A_391], %parallel_loop3A_396 : memref<16x8x129xf32, #tpu.memory_space<vmem>>[vector<16xi32>, vector<16xi32>, vector<16xi32>], vector<16xf32>,
        tpu.vector_store_idx %arg11[%add3A_324, %and3A_5, %parallel_loop3A_391], %parallel_loop3A_401 : memref<16x8x129xf32, #tpu.memory_space<vmem>>[vector<16xi32>, vector<16xi32>, vector<16xi32>], vector<16xf32>,
      } {sc.loop_unroll_factor = 2 : i64, sc.parallel_access}
      %add3A_328 = arith.constant 3 : i32
      %add3A_329 = arith.addi %add3A_15, %add3A_328 : i32
      %get3A_330 = arith.index_cast %add3A_329 : i32 to index
      %get3A_331 = arith.constant 0 : index
      %get3A_332 = tpu.vector_load %arg12[%get3A_330, %get3A_331] {strides = array<i32>} : memref<200x32xf32, #tpu.memory_space<vmem>>, vector<16xf32>,
      %get3A_333 = arith.index_cast %add3A_329 : i32 to index
      %get3A_334 = arith.constant 16 : index
      %get3A_335 = tpu.vector_load %arg12[%get3A_333, %get3A_334] {strides = array<i32>} : memref<200x32xf32, #tpu.memory_space<vmem>>, vector<16xf32>,
      %shift_right_arithmetic3A_336 = arith.constant 3 : i32
      %shift_right_arithmetic3A_337 = vector.broadcast %shift_right_arithmetic3A_336 : i32 to vector<16xi32>
      %shift_right_arithmetic3A_338 = arith.shrsi %iota3A, %shift_right_arithmetic3A_337 : vector<16xi32>
      %add3A_339 = arith.constant 12 : i32
      %add3A_340 = vector.broadcast %add3A_339 : i32 to vector<16xi32>
      %add3A_341 = arith.addi %shift_right_arithmetic3A_338, %add3A_340 : vector<16xi32>
      %add3A_342 = arith.constant 2 : i32
      %add3A_343 = vector.broadcast %add3A_342 : i32 to vector<16xi32>
      %add3A_344 = arith.addi %add3A_341, %add3A_343 : vector<16xi32>
      %parallel_loop3A_345 = arith.constant 0 : i32
      %parallel_loop3A_346 = arith.constant 128 : i32
      %parallel_loop3A_347 = arith.constant 1 : i32
      scf.for %parallel_loop3A_388 = %parallel_loop3A_345 to %parallel_loop3A_346 step %parallel_loop3A_347  : i32 {
        %parallel_loop3A_389 = arith.constant 384 : i32
        %parallel_loop3A_390 = arith.addi %parallel_loop3A_389, %parallel_loop3A_388 : i32
        %parallel_loop3A_391 = vector.broadcast %parallel_loop3A_388 : i32 to vector<16xi32>
        %parallel_loop3A_392 = arith.index_cast %parallel_loop3A_390 : i32 to index
        %parallel_loop3A_393 = arith.constant 0 : index
        %parallel_loop3A_394 = tpu.vector_load %arg9[%parallel_loop3A_392, %parallel_loop3A_393] {strides = array<i32>} : memref<512x32xf32, #tpu.memory_space<vmem>>, vector<16xf32>,
        %parallel_loop3A_395 = arith.mulf %parallel_loop3A_394, %get3A_3 : vector<16xf32>
        %parallel_loop3A_396 = arith.addf %parallel_loop3A_395, %get3A_332 : vector<16xf32>
        %parallel_loop3A_397 = arith.index_cast %parallel_loop3A_390 : i32 to index
        %parallel_loop3A_398 = arith.constant 16 : index
        %parallel_loop3A_399 = tpu.vector_load %arg9[%parallel_loop3A_397, %parallel_loop3A_398] {strides = array<i32>} : memref<512x32xf32, #tpu.memory_space<vmem>>, vector<16xf32>,
        %parallel_loop3A_400 = arith.mulf %parallel_loop3A_399, %get3A_3 : vector<16xf32>
        %parallel_loop3A_401 = arith.addf %parallel_loop3A_400, %get3A_335 : vector<16xf32>
        tpu.vector_store_idx %arg11[%add3A_341, %and3A_5, %parallel_loop3A_391], %parallel_loop3A_396 : memref<16x8x129xf32, #tpu.memory_space<vmem>>[vector<16xi32>, vector<16xi32>, vector<16xi32>], vector<16xf32>,
        tpu.vector_store_idx %arg11[%add3A_344, %and3A_5, %parallel_loop3A_391], %parallel_loop3A_401 : memref<16x8x129xf32, #tpu.memory_space<vmem>>[vector<16xi32>, vector<16xi32>, vector<16xi32>], vector<16xf32>,
      } {sc.loop_unroll_factor = 2 : i64, sc.parallel_access}
      %mul3A_348 = arith.constant 4 : i32
      %mul3A_349 = arith.muli %add3A_15, %mul3A_348 : i32
      %mul3A_350 = arith.constant 8 : i32
      %mul3A_351 = arith.muli %add3A, %mul3A_350 : i32
      %dma_start3A_352 = arith.constant 0 : i32
      %dma_start3A_353 = arith.constant 0 : i32
      %dma_start3A_354 = arith.constant 0 : i32
      %dma_start3A_355 = tpu.memref_slice %arg11[%dma_start3A_352, %dma_start3A_353, %dma_start3A_354] : memref<16x8x129xf32, #tpu.memory_space<vmem>> -> memref<16x8x128xf32, #tpu.memory_space<vmem>>
      %dma_start3A_356 = arith.constant 0 : i32
      %dma_start3A_357 = tpu.memref_slice %arg6[%mul3A_349, %mul3A_351, %dma_start3A_356] : memref<800x256x128xf32, #tpu.memory_space<hbm>> -> memref<16x8x128xf32, #tpu.memory_space<hbm>>
      %dma_start3A_358 = arith.constant 0 : i32
      %dma_start3A_359 = tpu.memref_slice %arg6[%mul3A_349, %mul3A_351, %dma_start3A_358] : memref<800x256x128xf32, #tpu.memory_space<hbm>> -> memref<16x8x128xf32, #tpu.memory_space<hbm>>
      %dma_start3A_360 = arith.constant 0 : i32
      %dma_start3A_361 = arith.constant 0 : i32
      %dma_start3A_362 = arith.constant 0 : i32
      %dma_start3A_363 = tpu.memref_slice %arg11[%dma_start3A_360, %dma_start3A_361, %dma_start3A_362] : memref<16x8x129xf32, #tpu.memory_space<vmem>> -> memref<16x8x128xf32, #tpu.memory_space<vmem>>
      tpu.enqueue_dma source(%dma_start3A_363 : memref<16x8x128xf32, #tpu.memory_space<vmem>>) target(%dma_start3A_359 : memref<16x8x128xf32, #tpu.memory_space<hbm>>) target_semaphore(%arg16 : memref<!tpu.dma_semaphore, #tpu.memory_space<semaphore_mem>>)
      %dma_wait3A_364 = arith.constant 0 : i32
      %dma_wait3A_365 = arith.constant 0 : i32
      %dma_wait3A_366 = arith.constant 0 : i32
      %dma_wait3A_367 = tpu.memref_slice %arg10[%dma_wait3A_364, %dma_wait3A_365, %dma_wait3A_366] : memref<16x8x129xf32, #tpu.memory_space<vmem>> -> memref<16x8x128xf32, #tpu.memory_space<vmem>>
      %dma_wait3A_368 = arith.constant 0 : i32
      %dma_wait3A_369 = tpu.memref_slice %arg6[%mul3A_217, %mul3A_219, %dma_wait3A_368] : memref<800x256x128xf32, #tpu.memory_space<hbm>> -> memref<16x8x128xf32, #tpu.memory_space<hbm>>
      %dma_wait3A_370 = arith.constant 0 : i32
      %dma_wait3A_371 = tpu.memref_slice %arg6[%mul3A_217, %mul3A_219, %dma_wait3A_370] : memref<800x256x128xf32, #tpu.memory_space<hbm>> -> memref<16x8x128xf32, #tpu.memory_space<hbm>>
      %dma_wait3A_372 = arith.constant 0 : i32
      %dma_wait3A_373 = arith.constant 0 : i32
      %dma_wait3A_374 = arith.constant 0 : i32
      %dma_wait3A_375 = tpu.memref_slice %arg10[%dma_wait3A_372, %dma_wait3A_373, %dma_wait3A_374] : memref<16x8x129xf32, #tpu.memory_space<vmem>> -> memref<16x8x128xf32, #tpu.memory_space<vmem>>
      tpu.wait_dma2 semaphore(%arg16 : memref<!tpu.dma_semaphore, #tpu.memory_space<semaphore_mem>>) src(%dma_wait3A_375 : memref<16x8x128xf32, #tpu.memory_space<vmem>>) dst(%dma_wait3A_371 : memref<16x8x128xf32, #tpu.memory_space<hbm>>)
      %dma_wait3A_376 = arith.constant 0 : i32
      %dma_wait3A_377 = arith.constant 0 : i32
      %dma_wait3A_378 = arith.constant 0 : i32
      %dma_wait3A_379 = tpu.memref_slice %arg11[%dma_wait3A_376, %dma_wait3A_377, %dma_wait3A_378] : memref<16x8x129xf32, #tpu.memory_space<vmem>> -> memref<16x8x128xf32, #tpu.memory_space<vmem>>
      %dma_wait3A_380 = arith.constant 0 : i32
      %dma_wait3A_381 = tpu.memref_slice %arg6[%mul3A_349, %mul3A_351, %dma_wait3A_380] : memref<800x256x128xf32, #tpu.memory_space<hbm>> -> memref<16x8x128xf32, #tpu.memory_space<hbm>>
      %dma_wait3A_382 = arith.constant 0 : i32
      %dma_wait3A_383 = tpu.memref_slice %arg6[%mul3A_349, %mul3A_351, %dma_wait3A_382] : memref<800x256x128xf32, #tpu.memory_space<hbm>> -> memref<16x8x128xf32, #tpu.memory_space<hbm>>
      %dma_wait3A_384 = arith.constant 0 : i32
      %dma_wait3A_385 = arith.constant 0 : i32
      %dma_wait3A_386 = arith.constant 0 : i32
      %dma_wait3A_387 = tpu.memref_slice %arg11[%dma_wait3A_384, %dma_wait3A_385, %dma_wait3A_386] : memref<16x8x129xf32, #tpu.memory_space<vmem>> -> memref<16x8x128xf32, #tpu.memory_space<vmem>>
      tpu.wait_dma2 semaphore(%arg16 : memref<!tpu.dma_semaphore, #tpu.memory_space<semaphore_mem>>) src(%dma_wait3A_387 : memref<16x8x128xf32, #tpu.memory_space<vmem>>) dst(%dma_wait3A_383 : memref<16x8x128xf32, #tpu.memory_space<hbm>>)
    }
    %scan3A_10 = arith.constant 25 : i32
    return
  }
}

</mosaic_0001>

<sc_bundles>
// kernel: kernel.3.cloned.1.call-start
scs
__scs_entry_jumppad:
0x0: {  	(pc) =	sbr.rel $0x88, $3  }
0x1: {  	(tag) =	ssettag $0x0;
	lr =	simm.s32 $0x1  }
0x2: {  	[smem:$0x3F9D] =	sst lr;
	_ =	strace $0xD0000000  }
0x3: {  	_ = 	snop  }
0x4: {  	_ = 	snop  }
0x5: {  	_ = 	snop  }
0x6: {  	_ = 	snop  }
0x7: {  	_ = 	snop  }
__scs_overlays_trampoline_lowered:
0x8: {  	[smem:$0x3FAC] =	sst s0  }
0x9: {  	[smem:$0x3FAD] =	sst s1  }
0xa: {  	[smem:$0x3FAE] =	sst s2  }
0xb: {  	[smem:$0x3FAF] =	sst s3  }
0xc: {  	[smem:$0x3FB0] =	sst s4  }
0xd: {  	[smem:$0x3FB1] =	sst s5  }
0xe: {  	[smem:$0x3FB2] =	sst s6  }
0xf: {  	[smem:$0x3FB3] =	sst s7  }
0x10: {  	[smem:$0x3FB4] =	sst s8  }
0x11: {  	[smem:$0x3FB5] =	sst s9;
	s0 =	simm.s32 @!p0 $0x0  }
0x12: {  	s1 =	sld [smem:$0x3F9B];
	s0 =	simm.s32 @p0 $0x1  }
0x13: {  	[smem:$0x3FB6] =	sst s0;
	s0 =	simm.s32 @!p1 $0x0  }
0x14: {  	s2 =	sld [smem:$0x3F9A];
	s0 =	simm.s32 @p1 $0x1  }
0x15: {  	[smem:$0x3FB7] =	sst s0;
	s0 =	simm.s32 @!p2 $0x0  }
0x16: {  	s3 =	sld [smem:$0x3FDB];
	s0 =	simm.s32 @p2 $0x1  }
0x17: {  	s4 =	simm.s32 $0x1BF5;
	[smem:$0x3FB9] =	sst s0  }
0x18: {  	s0 =	sld [smem:$0x3F9C];
	_ =	swait.ge [sflag:s4], $0x0  }
0x19: {  	s7 =	sld [smem:$0x3F9D]  }
0x1a: {  	s8 =	sadd.s32 $0xFFFFE003, lr  }
0x1b: {  	s9 =	sadd.s32 $0xFFFFFEF7, lr;
	s5 =	simm.s32 $0xFFFFFFFF;
	p2 =	slt.u32 s8, $0xFFFFF086  }
0x1c: {  	p1 =	slt.u32 s9, $0xF7A;
	s5 =	simm.s32 @!p2 $0x0  }
0x1d: {  	s5 =	simm.s32 @p1 $0x1;
	p0 =	seq.s32 s7, s2  }
0x1e: {  	s7 =	smul.u32 @!p0 $0xF7A, s2;
	p2 =	seq.s32 @!p0 s5, $0x0  }
0x1f: {  	s9 =	smul.u32 $0xF7A, s1;
	s8 =	simm.s32 @!p0 $0x1BF5;
	p2 =	por !p2, p0  }
0x20: {  	[sflag:s8] =	ssyncset.s32 @!p0 $0xFFFFF086;
	s6 =	sadd.s32 @!p0 s3, s7;
	s7 =	simm.s32 @!p0 $0x108  }
0x21: {  	s3 =	sadd.s32 s3, s9;
	s6 =	sadd.s32 @!p0 $0x88, s6;
	s7 =	simm.s32 @p2 $0x1082  }
0x22: {  	[simem:s7], [sflag:s8] =	dma.local @!p0 [hbm:s6], $0xF7A  }
0x23: {  	s9 =	sor.u32 $0xD0000000, s2;
	s6 =	simm.s32 $0x108;
	_ =	swait.ge @!p0 [sflag:s8], $0x0  }
0x24: {  	s3 =	sadd.s32 $0x88, s3;
	s6 =	simm.s32 @!p1 $0x1082;
	[sflag:s4] =	ssyncset.s32 $0xFFFFF086  }
0x25: {  	[simem:s6], [sflag:s4] =	dma.local [hbm:s3], $0xF7A  }
0x26: {  	[smem:$0x3F9D] =	sst s1;
	(tag) =	ssettag s2;
	_ =	strace s9  }
0x27: {  	s1 =	sld [smem:$0x3FAD]  }
0x28: {  	s2 =	sld [smem:$0x3FAE]  }
0x29: {  	s4 =	sld [smem:$0x3FB0]  }
0x2a: {  	p0 =	seq.s32 s5, $0x0;
	s5 =	sld [smem:$0x3FB1]  }
0x2b: {  	s6 =	sld [smem:$0x3FB2]  }
0x2c: {  	s7 =	sld [smem:$0x3FB3]  }
0x2d: {  	s3 =	simm.s32 $0x108;
	s8 =	sld [smem:$0x3FB4]  }
0x2e: {  	s3 =	simm.s32 @!p0 $0x1082;
	s9 =	sld [smem:$0x3FB5]  }
0x2f: {  	lr =	sadd.s32 s0, s3;
	s0 =	sld [smem:$0x3FAC]  }
0x30: {  	s3 =	sld [smem:$0x3FAF]  }
0x31: {  	[smem:$0x3FB8] =	sst s10  }
0x32: {  	s10 =	sld [smem:$0x3FB6];
	_ =	sdelay $0x3  }
0x33: {  	p0 =	seq.s32 s10, $0x1;
	s10 =	sld [smem:$0x3FB8];
	_ =	sdelay $0x3  }
0x34: {  	[smem:$0x3FB8] =	sst s10  }
0x35: {  	s10 =	sld [smem:$0x3FB7];
	_ =	sdelay $0x3  }
0x36: {  	p1 =	seq.s32 s10, $0x1;
	s10 =	sld [smem:$0x3FB8];
	_ =	sdelay $0x3  }
0x37: {  	[smem:$0x3FB8] =	sst s10  }
0x38: {  	s10 =	sld [smem:$0x3FB9]  }
0x39: {  	_ = 	snop;
	(pc) =	sbr.ind lr, $3  }
0x3a: {  	_ = 	snop  }
0x3b: {  	_ = 	snop  }
0x3c: {  	p2 =	seq.s32 s10, $0x1;
	s10 =	sld [smem:$0x3FB8]  }
0x3d: {  	_ =	shalt  }
0x3e: {  	_ =	shalt  }
0x3f: {  	_ =	shalt  }
0x40: {  	_ =	shalt  }
0x41: {  	_ =	shalt  }
0x42: {  	_ =	shalt  }
0x43: {  	_ =	shalt  }
0x44: {  	_ =	shalt  }
0x45: {  	_ =	shalt  }
0x46: {  	_ =	shalt  }
0x47: {  	_ =	shalt  }
0x48: {  	_ =	shalt  }
0x49: {  	_ =	shalt  }
0x4a: {  	_ =	shalt  }
0x4b: {  	_ =	shalt  }
0x4c: {  	_ =	shalt  }
0x4d: {  	_ =	shalt  }
0x4e: {  	_ =	shalt  }
0x4f: {  	_ =	shalt  }
0x50: {  	_ =	shalt  }
0x51: {  	_ =	shalt  }
0x52: {  	_ =	shalt  }
0x53: {  	_ =	shalt  }
0x54: {  	_ =	shalt  }
0x55: {  	_ =	shalt  }
0x56: {  	_ =	shalt  }
0x57: {  	_ =	shalt  }
0x58: {  	_ =	shalt  }
0x59: {  	_ =	shalt  }
0x5a: {  	_ =	shalt  }
0x5b: {  	_ =	shalt  }
0x5c: {  	_ =	shalt  }
0x5d: {  	_ =	shalt  }
0x5e: {  	_ =	shalt  }
0x5f: {  	_ =	shalt  }
0x60: {  	_ =	shalt  }
0x61: {  	_ =	shalt  }
0x62: {  	_ =	shalt  }
0x63: {  	_ =	shalt  }
0x64: {  	_ =	shalt  }
0x65: {  	_ =	shalt  }
0x66: {  	_ =	shalt  }
0x67: {  	_ =	shalt  }
0x68: {  	_ =	shalt  }
0x69: {  	_ =	shalt  }
0x6a: {  	_ =	shalt  }
0x6b: {  	_ =	shalt  }
0x6c: {  	_ =	shalt  }
0x6d: {  	_ =	shalt  }
0x6e: {  	_ =	shalt  }
0x6f: {  	_ =	shalt  }
0x70: {  	_ =	shalt  }
0x71: {  	_ =	shalt  }
0x72: {  	_ =	shalt  }
0x73: {  	_ =	shalt  }
0x74: {  	_ =	shalt  }
0x75: {  	_ =	shalt  }
0x76: {  	_ =	shalt  }
0x77: {  	_ =	shalt  }
0x78: {  	_ =	shalt  }
0x79: {  	_ =	shalt  }
0x7a: {  	_ =	shalt  }
0x7b: {  	_ =	shalt  }
0x7c: {  	_ =	shalt  }
0x7d: {  	_ =	shalt  }
0x7e: {  	_ =	shalt  }
0x7f: {  	_ =	shalt  }
0x80: {  	_ =	shalt  }
0x81: {  	_ =	shalt  }
0x82: {  	_ =	shalt  }
0x83: {  	_ =	shalt  }
0x84: {  	_ =	shalt  }
0x85: {  	_ =	shalt  }
0x86: {  	_ =	shalt  }
0x87: {  	_ =	shalt  }
.Lfunc_end0:
.L_simem_size_0:
called_computation_lowered:
.L_overlay_start_0:
0x88: {  	s2 =	sld [smem:$0x3FD9]  }
0x89: {  	s3 =	sld [smem:$0x3FFE];
	_ =	sdelay $0x1  }
0x8a: {  	s1 =	srdreg.scid  }
0x8b: {  	s0 =	sand.u32 $0x1, s1  }
0x8c: {  	s17 =	sshll.u32 s0, $0xA;
	s2 =	sadd.s32 s3, s2  }
0x8d: {  	s2 =	sadd.s32 s2, s17  }
0x8e: {  	[smem:$0x3FC4] =	sst s2  }
0x8f: {  	_ = 	snop  }
0x90: {  	s2 =	sld [smem:$0x3FD0];
	(tm) =	ssettm $0x1  }
0x91: {  	s18 =	sld [smem:$0x3FFB];
	_ =	sdelay $0x3  }
0x92: {  	_ =	strace s18  }
0x93: {  	s3 =	sld [smem:$0x3FFC];
	_ =	sdelay $0x3  }
0x94: {  	_ =	strace s3  }
0x95: {  	s3 =	sld [smem:$0x3FFD];
	_ =	sdelay $0x3  }
0x96: {  	_ =	strace s3  }
0x97: {  	_ =	strace $0x8FFFFFFF  }
0x98: {  	s19 =	sld [smem:$0x3FDB];
	_ =	sdelay $0x1  }
0x99: {  	s4 =	simm.s32 $_scs_section_size  }
0x9a: {  	s5 =	simm.s32 $_size__tile_overlayer_lowered;
	s6 =	simm.s32 $_tile_overlayer_lowered  }
0x9b: {  	s22 =	simm.s32 $0x1BFF;
	s21 =	sshll.u32 s6, $0x1;
	s3 =	sadd.s32 s4, s19  }
0x9c: {  	s7 =	simm.s32 $0x0;
	s20 =	sshll.u32 s5, $0x1;
	s5 =	sadd.s32 s21, s3  }
0x9d: {  	[timem:s7], [sflag:s22] =	dma.local [hbm:s5], s20  }
0x9e: {  	_ =	swait.ge [sflag:s22], s20  }
0x9f: {  	s4 =	ssub.s32 $0x0, s20;
	[sflag:s22] =	ssyncset.done $0x0  }
0xa0: {  	[sflag:s22] =	ssyncadd.s32 s4;
	_ =	sdelay $0x1  }
0xa1: {  	s23 =	simm.s32 $0x1B8B  }
0xa2: {  	_ =	swait.ge [sflag:s23], $0x1  }
0xa3: {  	[sflag:s23] =	ssyncset.done $0x0  }
0xa4: {  	s25 =	simm.s32 $0x1B8E;
	s24 =	sld [smem:$0x3FFE];
	[sflag:s23] =	ssyncadd.s32 $0xFFFFFFFF  }
0xa5: {  	s26 =	simm.s32 $execute0_lowered;
	[smem:$0x3FD2] =	sst s25  }
0xa6: {  	s5 =	sshll.u32 s26, $0x1;
	_ =	strace $0x80000046;
	[dreg:$0x1] =	wrdreg $0xFFFFFFFF  }
0xa7: {  	s28 =	simm.s32 $_size_execute0_lowered;
	s3 =	sadd.s32 s3, s5;
	[dreg:$0x0] =	wrdreg $0x0  }
0xa8: {  	s5 =	sshll.u32 s28, $0x1;
	[dreg:$0x2] =	wrdreg s3  }
0xa9: {  	[dreg:$0x3] =	wrdreg s5  }
0xaa: {  	[dreg:$0x4] =	wrdreg $0xC0  }
0xab: {  	_ =	task [dreg:s7], $0x5FFFF  }
0xac: {  	[dreg:$0x1] =	wrdreg $0xFFFFFFFF  }
0xad: {  	[dreg:$0x0] =	wrdreg $0x60  }
0xae: {  	[dreg:$0x2] =	wrdreg s24  }
0xaf: {  	[dreg:$0x3] =	wrdreg s2  }
0xb0: {  	[dreg:$0x4] =	wrdreg $0x9  }
0xb1: {  	_ =	task.clear_ibuf [dreg:s7], $0x5FFFF;
	_ =	strace $0x90000046  }
0xb2: {  	s29 =	simm.s32 $0x9;
	_ =	strace $0x80000048  }
0xb3: {  	_ =	swait.ge [sflag:s29], $0x1  }
0xb4: {  	[sflag:s29] =	ssyncadd.s32 $0xFFFFFFFF  }
0xb5: {  	_ =	strace $0x90000048  }
0xb6: {  	_ =	sfence  }
0xb7: {  	s30 =	sld [smem:$0x0];
	_ =	sdelay $0x2  }
0xb8: {  	s31 =	sshll.u32 s1, $0xD;
	s1 =	sshrl.u32 s1, $0x2  }
0xb9: {  	s3 =	sand.u32 $0x4000, s31;
	s1 =	sadd.s32 s1, s30  }
0xba: {  	s0 =	sor.u32 s3, s0;
	s1 =	sshll.u32 s1, $0x11  }
0xbb: {  	s0 =	sor.u32 s1, s0  }
0xbc: {  	s0 =	sadd.s32 $0x8F2B, s0  }
0xbd: {  	[sflag:s0] =	ssyncadd.remote.s32 $0x1  }
0xbe: {  	_ =	sfence.sel $0xFFFF  }
0xbf: {  	[dreg:$0x0] =	wrdreg $0xFFFFFFFF;
	(pc) =	sbr.abs _section_cstart, $3  }
0xc0: {  	[dreg:$0x1] =	wrdreg $0xFFFFFFFF  }
0xc1: {  	_ =	task.clear_ibuf [dreg:s7], $0x2FFFF;
	_ =	strace $0x9FFFFFFF  }
0xc2: {  	(tm) =	ssettm $0x7FFFFFFF  }
0xc3: {  	_ =	shalt  }
tec
execute0_lowered:
.L_overlay_start_1:
0x0: {  	(tag) =	ssettag $0x1  }
0x1: {  	s0 =	rddreg [dreg:$0x0]  }
0x2: {  	s2 =	rddreg [dreg:$0x1];
	s3 =	simm.s32 $0x0;
	s1 =	srdreg.scid  }
0x3: {  	s4 =	stileid.u32;
	s13 =	simm.s32 $0x80;
	s15 =	simm.s32 $0x6400  }
0x4: {  	s16 =	simm.s32 $0x7400;
	s17 =	simm.s32 $0x8400;
	s18 =	simm.s32 $0x9400  }
0x5: {  	s19 =	simm.s32 $0xA400;
	s20 =	simm.s32 $0xB400;
	s21 =	simm.s32 $0xC400  }
0x6: {  	s22 =	simm.s32 $0xD400;
	s23 =	simm.s32 $0x1;
	s24 =	simm.s32 $0xE400  }
0x7: {  	s25 =	simm.s32 $0x2;
	s28 =	simm.s32 $0x3;
	[smem:$0x7FF] =	sst s3  }
0x8: {  	s1 =	sand.u32 $0x1, s1;
	s4 =	sshll.u32 s4, $0x1;
	s7 =	sadd.s32 $0x19800, s0  }
0x9: {  	v0 =	vlaneseq.u32;
	_ =	strace $0x80000047;
	s5 =	sor.u32 s1, s4;
	s4 =	sadd.s32 $0xF42C00, s0  }
0xa: {  	v0 =	vmul.u32 $0x88, v0;
	s1 =	ssub.s32 $0x2, s1;
	[dreg:$0x3] =	wrdreg s7;
	s6 =	sshll.u32 s5, $0x4  }
0xb: {  	s26 =	sshrl.u32 s1, $0x1;
	s6 =	sadd.s32 s6, s0;
	s0 =	sadd.s32 $0x1A000, s0  }
0xc: {  	v1 =	vadd.s32 $0x880, v0;
	s30 =	ssub.s32 s1, s26;
	[dreg:$0x4] =	wrdreg s0;
	s31 =	sadd.s32 $0x800, s6  }
0xd: {  	s29 =	simm.s32 $0x0;
	v2 =	vadd.s32 $0x1100, v0;
	v3 =	vadd.s32 $0x1980, v0;
	v4 =	vadd.s32 $0x2200, v0;
	s0 =	smax.u32 s30, $0x1;
	[dreg:$0x5] =	wrdreg s31  }
0xe: {  	s8 =	sshll.u32 s5, $0xA;
	v5 =	vadd.s32 $0x2A80, v0;
	v6 =	vadd.s32 $0x3300, v0;
	v7 =	vadd.s32 $0x3B80, v0;
	s26 =	simm.s32 $0x12800;
	[dreg:$0x6] =	wrdreg s0  }
.LBB2_1:
0xf: {  	s0 =	rddreg [dreg:$0x3];
	s1 =	simm.s32 $0x16C00;
	s11 =	simm.s32 $0x4  }
0x10: {  	[tilespmem:s1], [sflag:$0x4] =	stream.linear.gather [hbm4b:s0+s3], $0x1900, $0x38;
	[tilespmem:$0x18510] =	vst v63  }
0x11: {  	_ =	swait.ge [sflag:s11], $0x1900  }
0x12: {  	[sflag:s11] =	ssyncset.done $0x0  }
0x13: {  	s5 =	simm.s32 $0x18500;
	s12 =	rddreg [dreg:$0x4];
	[sflag:s11] =	ssyncadd.s32 $0xFFFFE700  }
0x14: {  	[tilespmem:s5], [sflag:$0x4] =	stream.linear.gather [hbm4b:s12+s3], $0x10, $0x38;
	[tilespmem:$0x18510] =	vst v63  }
0x15: {  	_ =	swait.ge [sflag:s11], $0x10  }
0x16: {  	[sflag:s11] =	ssyncset.done $0x0  }
0x17: {  	s31 =	simm.s32 $0x1000;
	s14 =	rddreg [dreg:$0x5];
	[sflag:s11] =	ssyncadd.s32 $0xFFFFFFF0  }
0x18: {  	[tilespmem:s3], [sflag:$0x4] =	stream.strided.gather [hbm4b:s14+s13], $0x6400, s31, s13, $0x38;
	[tilespmem:$0x18510] =	vst v63  }
0x19: {  	_ =	swait.ge [sflag:s11], $0x6400  }
0x1a: {  	[sflag:s11] =	ssyncset.done $0x0  }
0x1b: {  	[sflag:s11] =	ssyncadd.s32 $0xFFFF9C00  }
0x1c: {  	v8 =	vld [tilespmem:$0x18500];
	_ =	sdelay $0x3  }
0x1d: {  	s30 =	simm.s32 $0x0  }
.LBB2_2:
0x1e: {  	s0 =	sshll.u32 s30, $0xA;
	s1 =	sshll.u32 s30, $0x3  }
0x1f: {  	s0 =	sand.u32 $0x3FFFFC00, s0;
	s5 =	sor.u32 $0x1, s1  }
0x20: {  	[tilespmem:s15], [sflag:$0x1] =	stream.indirect.gather [hbm4b:s4+s13], $0x20, s0, s13, $0xb8;
	[tilespmem:$0x18510] =	vst v63  }
0x21: {  	s14 =	sor.u32 $0x2, s1;
	s6 =	sshll.u32 s5, $0x7  }
0x22: {  	s12 =	sor.u32 $0x3, s1;
	s7 =	sshll.u32 s14, $0x7;
	s0 =	sand.u32 $0x3FFFFC80, s6  }
0x23: {  	[tilespmem:s16], [sflag:$0x1] =	stream.indirect.gather [hbm4b:s4+s13], $0x20, s0, s13, $0xb8;
	[tilespmem:$0x18510] =	vst v63  }
0x24: {  	s31 =	sor.u32 $0x4, s1;
	s9 =	sshll.u32 s12, $0x7;
	s0 =	sand.u32 $0x3FFFFD00, s7  }
0x25: {  	[tilespmem:s17], [sflag:$0x1] =	stream.indirect.gather [hbm4b:s4+s13], $0x20, s0, s13, $0xb8;
	[tilespmem:$0x18510] =	vst v63  }
0x26: {  	s10 =	sshll.u32 s31, $0x7;
	s0 =	sand.u32 $0x3FFFFD80, s9  }
0x27: {  	[tilespmem:s18], [sflag:$0x1] =	stream.indirect.gather [hbm4b:s4+s13], $0x20, s0, s13, $0xb8;
	[tilespmem:$0x18510] =	vst v63  }
0x28: {  	s0 =	sand.u32 $0x3FFFFE00, s10;
	s10 =	sor.u32 $0x5, s1  }
0x29: {  	s1 =	sor.u32 $0x6, s1;
	s11 =	sshll.u32 s10, $0x7  }
0x2a: {  	[tilespmem:s19], [sflag:$0x2] =	stream.indirect.gather [hbm4b:s4+s13], $0x20, s0, s13, $0xb8;
	[tilespmem:$0x18510] =	vst v63  }
0x2b: {  	s6 =	sshll.u32 s1, $0x7;
	s0 =	sand.u32 $0x3FFFFE80, s11  }
0x2c: {  	[tilespmem:s20], [sflag:$0x2] =	stream.indirect.gather [hbm4b:s4+s13], $0x20, s0, s13, $0xb8;
	[tilespmem:$0x18510] =	vst v63  }
0x2d: {  	s0 =	sand.u32 $0x3FFFFF00, s6  }
0x2e: {  	[tilespmem:s21], [sflag:$0x2] =	stream.indirect.gather [hbm4b:s4+s13], $0x20, s0, s13, $0xb8;
	[tilespmem:$0x18510] =	vst v63  }
0x2f: {  	s0 =	sshllo.u32 s30, $0x3  }
0x30: {  	s6 =	sshll.u32 s0, $0x7  }
0x31: {  	s6 =	sand.u32 $0x3FFFFF80, s6  }
0x32: {  	[tilespmem:s22], [sflag:$0x2] =	stream.indirect.gather [hbm4b:s4+s13], $0x20, s6, s13, $0xb8;
	[tilespmem:$0x18510] =	vst v63  }
0x33: {  	_ =	swait.ge [sflag:s23], $0x1000  }
0x34: {  	[sflag:s23] =	ssyncset.done $0x0  }
0x35: {  	[sflag:s23] =	ssyncadd.s32 $0xFFFFF000  }
0x36: {  	_ =	swait.ge [sflag:s23], $0x1000  }
0x37: {  	[sflag:s23] =	ssyncset.done $0x0  }
0x38: {  	[sflag:s23] =	ssyncadd.s32 $0xFFFFF000  }
0x39: {  	_ =	swait.ge [sflag:s23], $0x1000  }
0x3a: {  	[sflag:s23] =	ssyncset.done $0x0  }
0x3b: {  	[sflag:s23] =	ssyncadd.s32 $0xFFFFF000  }
0x3c: {  	_ =	swait.ge [sflag:s23], $0x1000  }
0x3d: {  	s7 =	sshll.u32 s30, $0x8;
	[sflag:s23] =	ssyncset.done $0x0  }
0x3e: {  	s6 =	sand.u32 $0x3FFFFF00, s7;
	[sflag:s23] =	ssyncadd.s32 $0xFFFFF000  }
0x3f: {  	s9 =	simm.s32 $0x6420;
	v10 =	vld [tilespmem:s6+$0x16C00]  }
0x40: {  	v11 =	vld [tilespmem:s9+$0x0]  }
0x41: {  	v12 =	vld [tilespmem:s9+$0x10]  }
0x42: {  	s7 =	simm.s32 $0x1;
	v13 =	vld [tilespmem:s9+$0xFFFFFFE0]  }
0x43: {  	s11 =	simm.s32 $0x0;
	v14 =	vmov s7;
	v9 =	vld [tilespmem:s6+$0x16C10]  }
0x44: {  	v16 =	vmov s11;
	v14 =	vand.u32 $0x7F, v14;
	v15 =	vld [tilespmem:s9+$0xFFFFFFF0]  }
0x45: {  	v16 =	vand.u32 $0x7E, v16;
	v17 =	vadd.s32 v0, v14  }
0x46: {  	v20 =	vadd.s32 v0, v16;
	s7 =	simm.s32 $0x6460;
	v11 =	vmul.f32 v11, v8;
	v12 =	vmul.f32 v12, v8  }
0x47: {  	v18 =	vadd.s32 v1, v14;
	v19 =	vld [tilespmem:s7+$0x0];
	v14 =	vmul.f32 v13, v8  }
0x48: {  	s9 =	simm.s32 $0x3;
	v13 =	vadd.s32 v1, v16;
	v11 =	vadd.f32 v11, v10;
	v22 =	vadd.f32 v12, v9;
	v12 =	vld [tilespmem:s7+$0x10]  }
0x49: {  	v21 =	vmov s9;
	v15 =	vmul.f32 v15, v8;
	v23 =	vadd.f32 v14, v10;
	v14 =	vld [tilespmem:s7+$0xFFFFFFE0]  }
0x4a: {  	s11 =	simm.s32 $0x2;
	v21 =	vand.u32 $0x7F, v21;
	v16 =	vld [tilespmem:s7+$0xFFFFFFF0];
	[tilespmem:v17+s24+$0x0] =	vst.idx.msk $0xffff, v11  }
0x4b: {  	v24 =	vmov s11;
	v11 =	vadd.s32 v0, v21;
	v17 =	vadd.f32 v15, v9;
	[tilespmem:v20+s24+$0x0] =	vst.idx.msk $0xffff, v23  }
0x4c: {  	s6 =	simm.s32 $0x4;
	v19 =	vmul.f32 v19, v8;
	s7 =	simm.s32 $0x64A0;
	v15 =	vadd.s32 v1, v21;
	[tilespmem:v18+s24+$0x0] =	vst.idx.msk $0xffff, v22;
	v18 =	vand.u32 $0x7E, v24  }
.LBB2_3:
0x4d: {  	v20 =	vld [tilespmem:s7+$0x0];
	v21 =	vadd.s32 v0, v18;
	v22 =	vmul.f32 v12, v8;
	[tilespmem:v13+s24+$0x0] =	vst.idx.msk $0xffff, v17;
	s9 =	smov.u32 s6;
	p0 =	slt.u32 s6, $0x7E  }
.Ltmp0:
0x4e: {  	s6 =	sadd.s32 $0x2, s6;
	v13 =	vadd.s32 v1, v18;
	s11 =	sadd.s32 $0x1, s9;
	v12 =	vld [tilespmem:s7+$0x10];
	v17 =	vmul.f32 v14, v8;
	v18 =	vadd.f32 v19, v10;
	(pc) =	sbr.rel @p0 .LBB2_3-.Ltmp0, $4  }
0x4f: {  	v14 =	vld [tilespmem:s7+$0xFFFFFFE0];
	v19 =	vmov s11;
	v23 =	vmul.f32 v16, v8;
	v22 =	vadd.f32 v22, v9  }
0x50: {  	v16 =	vld [tilespmem:s7+$0xFFFFFFF0];
	v24 =	vand.u32 $0x7F, v19;
	v25 =	vadd.f32 v17, v10;
	[tilespmem:v11+s24+$0x0] =	vst.idx.msk $0xffff, v18  }
0x51: {  	v18 =	vmov s9;
	v11 =	vadd.s32 v0, v24;
	v17 =	vadd.f32 v23, v9;
	[tilespmem:v15+s24+$0x0] =	vst.idx.msk $0xffff, v22  }
0x52: {  	s7 =	sadd.s32 $0x40, s7;
	v18 =	vand.u32 $0x7E, v18;
	v15 =	vadd.s32 v1, v24;
	v19 =	vmul.f32 v20, v8;
	[tilespmem:v21+s24+$0x0] =	vst.idx.msk $0xffff, v25  }
0x53: {  	_ =	sdelay $0x1  }
0x54: {  	v20 =	vadd.s32 v0, v18;
	v12 =	vmul.f32 v12, v8  }
0x55: {  	v18 =	vadd.s32 v1, v18;
	v14 =	vmul.f32 v14, v8;
	v19 =	vadd.f32 v19, v10  }
0x56: {  	[tilespmem:v13+s24+$0x0] =	vst.idx.msk $0xffff, v17;
	v13 =	vmul.f32 v16, v8;
	v12 =	vadd.f32 v12, v9  }
0x57: {  	v10 =	vadd.f32 v14, v10;
	[tilespmem:v11+s24+$0x0] =	vst.idx.msk $0xffff, v19  }
0x58: {  	v9 =	vadd.f32 v13, v9;
	[tilespmem:v15+s24+$0x0] =	vst.idx.msk $0xffff, v12  }
0x59: {  	s5 =	sshll.u32 s5, $0x5;
	[tilespmem:v20+s24+$0x0] =	vst.idx.msk $0xffff, v10  }
0x5a: {  	s5 =	sand.u32 $0x3FFFFFE0, s5;
	[tilespmem:v18+s24+$0x0] =	vst.idx.msk $0xffff, v9  }
0x5b: {  	s9 =	simm.s32 $0x7430;
	v10 =	vld [tilespmem:s5+$0x16C00]  }
0x5c: {  	v11 =	vld [tilespmem:s9+$0xFFFFFFF0]  }
0x5d: {  	v12 =	vld [tilespmem:s9+$0x0]  }
0x5e: {  	s6 =	simm.s32 $0x1;
	v13 =	vld [tilespmem:s9+$0xFFFFFFD0]  }
0x5f: {  	s11 =	simm.s32 $0x0;
	v14 =	vmov s6;
	v9 =	vld [tilespmem:s5+$0x16C10]  }
0x60: {  	v16 =	vmov s11;
	v14 =	vand.u32 $0x7F, v14;
	v15 =	vld [tilespmem:s9+$0xFFFFFFE0]  }
0x61: {  	v16 =	vand.u32 $0x7E, v16;
	v17 =	vadd.s32 v2, v14  }
0x62: {  	s7 =	simm.s32 $0x7470;
	v20 =	vadd.s32 v2, v16;
	v11 =	vmul.f32 v11, v8;
	v12 =	vmul.f32 v12, v8  }
0x63: {  	v18 =	vadd.s32 v3, v14;
	v19 =	vld [tilespmem:s7+$0xFFFFFFF0];
	v14 =	vmul.f32 v13, v8  }
0x64: {  	s9 =	simm.s32 $0x3;
	v13 =	vadd.s32 v3, v16;
	v11 =	vadd.f32 v11, v10;
	v22 =	vadd.f32 v12, v9;
	v12 =	vld [tilespmem:s7+$0x0]  }
0x65: {  	v21 =	vmov s9;
	v15 =	vmul.f32 v15, v8;
	v23 =	vadd.f32 v14, v10;
	v14 =	vld [tilespmem:s7+$0xFFFFFFD0]  }
0x66: {  	s11 =	simm.s32 $0x2;
	v21 =	vand.u32 $0x7F, v21;
	v16 =	vld [tilespmem:s7+$0xFFFFFFE0];
	[tilespmem:v17+s24+$0x0] =	vst.idx.msk $0xffff, v11  }
0x67: {  	v24 =	vmov s11;
	v11 =	vadd.s32 v2, v21;
	v17 =	vadd.f32 v15, v9;
	[tilespmem:v20+s24+$0x0] =	vst.idx.msk $0xffff, v23  }
0x68: {  	s6 =	simm.s32 $0x74B0;
	s5 =	simm.s32 $0x4;
	v19 =	vmul.f32 v19, v8;
	v15 =	vadd.s32 v3, v21;
	[tilespmem:v18+s24+$0x0] =	vst.idx.msk $0xffff, v22;
	v18 =	vand.u32 $0x7E, v24  }
.LBB2_5:
0x69: {  	v20 =	vld [tilespmem:s6+$0xFFFFFFF0];
	v21 =	vadd.s32 v2, v18;
	v22 =	vmul.f32 v12, v8;
	[tilespmem:v13+s24+$0x0] =	vst.idx.msk $0xffff, v17;
	s7 =	smov.u32 s5;
	p0 =	slt.u32 s5, $0x7E  }
.Ltmp1:
0x6a: {  	s5 =	sadd.s32 $0x2, s5;
	v13 =	vadd.s32 v3, v18;
	s9 =	sadd.s32 $0x1, s7;
	v12 =	vld [tilespmem:s6+$0x0];
	v17 =	vmul.f32 v14, v8;
	v18 =	vadd.f32 v19, v10;
	(pc) =	sbr.rel @p0 .LBB2_5-.Ltmp1, $4  }
0x6b: {  	v14 =	vld [tilespmem:s6+$0xFFFFFFD0];
	v19 =	vmov s9;
	v23 =	vmul.f32 v16, v8;
	v22 =	vadd.f32 v22, v9  }
0x6c: {  	v16 =	vld [tilespmem:s6+$0xFFFFFFE0];
	v24 =	vand.u32 $0x7F, v19;
	v25 =	vadd.f32 v17, v10;
	[tilespmem:v11+s24+$0x0] =	vst.idx.msk $0xffff, v18  }
0x6d: {  	v18 =	vmov s7;
	v11 =	vadd.s32 v2, v24;
	v17 =	vadd.f32 v23, v9;
	[tilespmem:v15+s24+$0x0] =	vst.idx.msk $0xffff, v22  }
0x6e: {  	s6 =	sadd.s32 $0x40, s6;
	v18 =	vand.u32 $0x7E, v18;
	v15 =	vadd.s32 v3, v24;
	v19 =	vmul.f32 v20, v8;
	[tilespmem:v21+s24+$0x0] =	vst.idx.msk $0xffff, v25  }
0x6f: {  	_ =	sdelay $0x1  }
0x70: {  	v20 =	vadd.s32 v2, v18;
	v12 =	vmul.f32 v12, v8  }
0x71: {  	v18 =	vadd.s32 v3, v18;
	v14 =	vmul.f32 v14, v8;
	v19 =	vadd.f32 v19, v10  }
0x72: {  	[tilespmem:v13+s24+$0x0] =	vst.idx.msk $0xffff, v17;
	v13 =	vmul.f32 v16, v8;
	v12 =	vadd.f32 v12, v9  }
0x73: {  	v10 =	vadd.f32 v14, v10;
	[tilespmem:v11+s24+$0x0] =	vst.idx.msk $0xffff, v19  }
0x74: {  	v9 =	vadd.f32 v13, v9;
	[tilespmem:v15+s24+$0x0] =	vst.idx.msk $0xffff, v12  }
0x75: {  	s5 =	sshll.u32 s14, $0x5;
	[tilespmem:v20+s24+$0x0] =	vst.idx.msk $0xffff, v10  }
0x76: {  	s5 =	sand.u32 $0x3FFFFFE0, s5;
	[tilespmem:v18+s24+$0x0] =	vst.idx.msk $0xffff, v9  }
0x77: {  	s14 =	simm.s32 $0x8430;
	v10 =	vld [tilespmem:s5+$0x16C00]  }
0x78: {  	v11 =	vld [tilespmem:s14+$0xFFFFFFF0]  }
0x79: {  	v12 =	vld [tilespmem:s14+$0x0]  }
0x7a: {  	s6 =	simm.s32 $0x1;
	v13 =	vld [tilespmem:s14+$0xFFFFFFD0]  }
0x7b: {  	s7 =	simm.s32 $0x0;
	v14 =	vmov s6;
	v9 =	vld [tilespmem:s5+$0x16C10]  }
0x7c: {  	v16 =	vmov s7;
	v14 =	vand.u32 $0x7F, v14;
	v15 =	vld [tilespmem:s14+$0xFFFFFFE0]  }
0x7d: {  	v16 =	vand.u32 $0x7E, v16;
	v17 =	vadd.s32 v4, v14  }
0x7e: {  	s9 =	simm.s32 $0x8470;
	v20 =	vadd.s32 v4, v16;
	v11 =	vmul.f32 v11, v8;
	v12 =	vmul.f32 v12, v8  }
0x7f: {  	v18 =	vadd.s32 v5, v14;
	v19 =	vld [tilespmem:s9+$0xFFFFFFF0];
	v14 =	vmul.f32 v13, v8  }
0x80: {  	s11 =	simm.s32 $0x3;
	v13 =	vadd.s32 v5, v16;
	v11 =	vadd.f32 v11, v10;
	v22 =	vadd.f32 v12, v9;
	v12 =	vld [tilespmem:s9+$0x0]  }
0x81: {  	v21 =	vmov s11;
	v15 =	vmul.f32 v15, v8;
	v23 =	vadd.f32 v14, v10;
	v14 =	vld [tilespmem:s9+$0xFFFFFFD0]  }
0x82: {  	v21 =	vand.u32 $0x7F, v21;
	s14 =	simm.s32 $0x2;
	v16 =	vld [tilespmem:s9+$0xFFFFFFE0];
	[tilespmem:v17+s24+$0x0] =	vst.idx.msk $0xffff, v11  }
0x83: {  	v24 =	vmov s14;
	v11 =	vadd.s32 v4, v21;
	v17 =	vadd.f32 v15, v9;
	[tilespmem:v20+s24+$0x0] =	vst.idx.msk $0xffff, v23  }
0x84: {  	s6 =	simm.s32 $0x84B0;
	s5 =	simm.s32 $0x4;
	v19 =	vmul.f32 v19, v8;
	v15 =	vadd.s32 v5, v21;
	[tilespmem:v18+s24+$0x0] =	vst.idx.msk $0xffff, v22;
	v18 =	vand.u32 $0x7E, v24  }
.LBB2_7:
0x85: {  	v20 =	vld [tilespmem:s6+$0xFFFFFFF0];
	v21 =	vadd.s32 v4, v18;
	v22 =	vmul.f32 v12, v8;
	[tilespmem:v13+s24+$0x0] =	vst.idx.msk $0xffff, v17;
	s7 =	smov.u32 s5;
	p0 =	slt.u32 s5, $0x7E  }
.Ltmp2:
0x86: {  	s5 =	sadd.s32 $0x2, s5;
	v13 =	vadd.s32 v5, v18;
	s9 =	sadd.s32 $0x1, s7;
	v12 =	vld [tilespmem:s6+$0x0];
	v17 =	vmul.f32 v14, v8;
	v18 =	vadd.f32 v19, v10;
	(pc) =	sbr.rel @p0 .LBB2_7-.Ltmp2, $4  }
0x87: {  	v14 =	vld [tilespmem:s6+$0xFFFFFFD0];
	v19 =	vmov s9;
	v23 =	vmul.f32 v16, v8;
	v22 =	vadd.f32 v22, v9  }
0x88: {  	v16 =	vld [tilespmem:s6+$0xFFFFFFE0];
	v24 =	vand.u32 $0x7F, v19;
	v25 =	vadd.f32 v17, v10;
	[tilespmem:v11+s24+$0x0] =	vst.idx.msk $0xffff, v18  }
0x89: {  	v18 =	vmov s7;
	v11 =	vadd.s32 v4, v24;
	v17 =	vadd.f32 v23, v9;
	[tilespmem:v15+s24+$0x0] =	vst.idx.msk $0xffff, v22  }
0x8a: {  	s6 =	sadd.s32 $0x40, s6;
	v18 =	vand.u32 $0x7E, v18;
	v15 =	vadd.s32 v5, v24;
	v19 =	vmul.f32 v20, v8;
	[tilespmem:v21+s24+$0x0] =	vst.idx.msk $0xffff, v25  }
0x8b: {  	_ =	sdelay $0x1  }
0x8c: {  	v20 =	vadd.s32 v4, v18;
	v12 =	vmul.f32 v12, v8  }
0x8d: {  	v18 =	vadd.s32 v5, v18;
	v14 =	vmul.f32 v14, v8;
	v19 =	vadd.f32 v19, v10  }
0x8e: {  	[tilespmem:v13+s24+$0x0] =	vst.idx.msk $0xffff, v17;
	v13 =	vmul.f32 v16, v8;
	v12 =	vadd.f32 v12, v9  }
0x8f: {  	v10 =	vadd.f32 v14, v10;
	[tilespmem:v11+s24+$0x0] =	vst.idx.msk $0xffff, v19  }
0x90: {  	v9 =	vadd.f32 v13, v9;
	[tilespmem:v15+s24+$0x0] =	vst.idx.msk $0xffff, v12  }
0x91: {  	s5 =	sshll.u32 s12, $0x5;
	[tilespmem:v20+s24+$0x0] =	vst.idx.msk $0xffff, v10  }
0x92: {  	s5 =	sand.u32 $0x3FFFFFE0, s5;
	[tilespmem:v18+s24+$0x0] =	vst.idx.msk $0xffff, v9  }
0x93: {  	s7 =	simm.s32 $0x9430;
	v10 =	vld [tilespmem:s5+$0x16C00]  }
0x94: {  	v11 =	vld [tilespmem:s7+$0xFFFFFFF0]  }
0x95: {  	v12 =	vld [tilespmem:s7+$0x0]  }
0x96: {  	s6 =	simm.s32 $0x1;
	v13 =	vld [tilespmem:s7+$0xFFFFFFD0]  }
0x97: {  	s9 =	simm.s32 $0x0;
	v14 =	vmov s6;
	v9 =	vld [tilespmem:s5+$0x16C10]  }
0x98: {  	v16 =	vmov s9;
	v14 =	vand.u32 $0x7F, v14;
	v15 =	vld [tilespmem:s7+$0xFFFFFFE0]  }
0x99: {  	v16 =	vand.u32 $0x7E, v16;
	v17 =	vadd.s32 v6, v14  }
0x9a: {  	s11 =	simm.s32 $0x9470;
	v20 =	vadd.s32 v6, v16;
	v11 =	vmul.f32 v11, v8;
	v12 =	vmul.f32 v12, v8  }
0x9b: {  	v14 =	vadd.s32 v7, v14;
	v19 =	vld [tilespmem:s11+$0xFFFFFFF0];
	v18 =	vmul.f32 v13, v8  }
0x9c: {  	s12 =	simm.s32 $0x3;
	v13 =	vadd.s32 v7, v16;
	v11 =	vadd.f32 v11, v10;
	v23 =	vadd.f32 v12, v9;
	v12 =	vld [tilespmem:s11+$0x0]  }
0x9d: {  	v21 =	vmov s12;
	v22 =	vmul.f32 v15, v8;
	v15 =	vld [tilespmem:s11+$0xFFFFFFD0];
	v24 =	vadd.f32 v18, v10  }
0x9e: {  	s14 =	simm.s32 $0x2;
	v21 =	vand.u32 $0x7F, v21;
	v16 =	vld [tilespmem:s11+$0xFFFFFFE0];
	[tilespmem:v17+s24+$0x0] =	vst.idx.msk $0xffff, v11  }
0x9f: {  	v18 =	vmov s14;
	v11 =	vadd.s32 v6, v21;
	v17 =	vadd.f32 v22, v9;
	[tilespmem:v20+s24+$0x0] =	vst.idx.msk $0xffff, v24  }
0xa0: {  	s6 =	simm.s32 $0x94B0;
	s5 =	simm.s32 $0x4;
	v19 =	vmul.f32 v19, v8;
	v18 =	vand.u32 $0x7E, v18;
	[tilespmem:v14+s24+$0x0] =	vst.idx.msk $0xffff, v23;
	v14 =	vadd.s32 v7, v21  }
.LBB2_9:
0xa1: {  	v20 =	vld [tilespmem:s6+$0xFFFFFFF0];
	v21 =	vadd.s32 v6, v18;
	v22 =	vmul.f32 v12, v8;
	[tilespmem:v13+s24+$0x0] =	vst.idx.msk $0xffff, v17;
	s7 =	smov.u32 s5;
	p0 =	slt.u32 s5, $0x7E  }
.Ltmp3:
0xa2: {  	s5 =	sadd.s32 $0x2, s5;
	v13 =	vadd.s32 v7, v18;
	s9 =	sadd.s32 $0x1, s7;
	v12 =	vld [tilespmem:s6+$0x0];
	v17 =	vmul.f32 v15, v8;
	v18 =	vadd.f32 v19, v10;
	(pc) =	sbr.rel @p0 .LBB2_9-.Ltmp3, $4  }
0xa3: {  	v15 =	vld [tilespmem:s6+$0xFFFFFFD0];
	v19 =	vmov s9;
	v23 =	vmul.f32 v16, v8;
	v22 =	vadd.f32 v22, v9  }
0xa4: {  	v16 =	vld [tilespmem:s6+$0xFFFFFFE0];
	v24 =	vand.u32 $0x7F, v19;
	v25 =	vadd.f32 v17, v10;
	[tilespmem:v11+s24+$0x0] =	vst.idx.msk $0xffff, v18  }
0xa5: {  	v18 =	vmov s7;
	v11 =	vadd.s32 v6, v24;
	v17 =	vadd.f32 v23, v9;
	[tilespmem:v14+s24+$0x0] =	vst.idx.msk $0xffff, v22  }
0xa6: {  	s6 =	sadd.s32 $0x40, s6;
	v18 =	vand.u32 $0x7E, v18;
	v14 =	vadd.s32 v7, v24;
	v19 =	vmul.f32 v20, v8;
	[tilespmem:v21+s24+$0x0] =	vst.idx.msk $0xffff, v25  }
0xa7: {  	_ =	sdelay $0x1  }
0xa8: {  	v20 =	vadd.s32 v6, v18;
	v12 =	vmul.f32 v12, v8  }
0xa9: {  	v62 =	vadd.s32 v7, v18;
	v15 =	vmul.f32 v15, v8;
	v19 =	vadd.f32 v19, v10  }
0xaa: {  	[tilespmem:v13+s24+$0x0] =	vst.idx.msk $0xffff, v17;
	v63 =	vmul.f32 v16, v8;
	v12 =	vadd.f32 v12, v9  }
0xab: {  	s5 =	sshll.u32 s30, $0x14;
	v10 =	vadd.f32 v15, v10;
	[tilespmem:v11+s24+$0x0] =	vst.idx.msk $0xffff, v19  }
0xac: {  	s5 =	sor.u32 s8, s5;
	v9 =	vadd.f32 v63, v9;
	[tilespmem:v14+s24+$0x0] =	vst.idx.msk $0xffff, v12  }
0xad: {  	s5 =	sshrl.u32 s5, $0x3;
	[tilespmem:v20+s24+$0x0] =	vst.idx.msk $0xffff, v10  }
0xae: {  	s7 =	simm.s32 $0xE400;
	s9 =	sadd.s32 s2, s5;
	[tilespmem:v62+s24+$0x0] =	vst.idx.msk $0xffff, v9  }
0xaf: {  	[hbm4b:s9+s3] =	stream.linear.scatter [tilespmem:s7], [sflag:$0x3], $0x80, $0x38;
	[tilespmem:$0x18510] =	vst v63  }
0xb0: {  	s11 =	simm.s32 $0xE488;
	s6 =	sadd.s32 $0x10, s9  }
0xb1: {  	[hbm4b:s6+s3] =	stream.linear.scatter [tilespmem:s11], [sflag:$0x3], $0x80, $0x38;
	[tilespmem:$0x18510] =	vst v63  }
0xb2: {  	s12 =	simm.s32 $0xE510;
	s14 =	sadd.s32 $0x20, s9  }
0xb3: {  	[hbm4b:s14+s3] =	stream.linear.scatter [tilespmem:s12], [sflag:$0x3], $0x80, $0x38;
	[tilespmem:$0x18510] =	vst v63  }
0xb4: {  	s7 =	simm.s32 $0xE598;
	s11 =	sadd.s32 $0x30, s9  }
0xb5: {  	[hbm4b:s11+s3] =	stream.linear.scatter [tilespmem:s7], [sflag:$0x3], $0x80, $0x38;
	[tilespmem:$0x18510] =	vst v63  }
0xb6: {  	s12 =	simm.s32 $0xE620;
	s14 =	sadd.s32 $0x40, s9  }
0xb7: {  	[hbm4b:s14+s3] =	stream.linear.scatter [tilespmem:s12], [sflag:$0x3], $0x80, $0x38;
	[tilespmem:$0x18510] =	vst v63  }
0xb8: {  	s5 =	simm.s32 $0x440;
	s7 =	simm.s32 $0xE6A8;
	s11 =	sadd.s32 $0x50, s9  }
0xb9: {  	[hbm4b:s11+s3] =	stream.linear.scatter [tilespmem:s7], [sflag:$0x3], $0x80, $0x38;
	[tilespmem:$0x18510] =	vst v63  }
0xba: {  	s6 =	simm.s32 $0x2200;
	s12 =	simm.s32 $0xE730;
	s14 =	sadd.s32 $0x60, s9  }
0xbb: {  	[hbm4b:s14+s3] =	stream.linear.scatter [tilespmem:s12], [sflag:$0x3], $0x80, $0x38;
	[tilespmem:$0x18510] =	vst v63  }
0xbc: {  	s7 =	simm.s32 $0xE7B8;
	s14 =	sadd.s32 $0x70, s9;
	s12 =	sadd.s32 $0x1000, s9  }
.LBB2_11:
0xbd: {  	[hbm4b:s14+s3] =	stream.linear.scatter [tilespmem:s7], [sflag:$0x3], $0x80, $0x38;
	[tilespmem:$0x18510] =	vst v63  }
0xbe: {  	s7 =	smov.u32 s5;
	s5 =	smov.u32 s6  }
0xbf: {  	s9 =	sadd.s32 $0x1100, s6;
	s5 =	sshra.s32 s5, $0x2;
	s11 =	sadd.s32 $0xE400, s7  }
0xc0: {  	[hbm4b:s12+s3] =	stream.linear.scatter [tilespmem:s11], [sflag:$0x3], $0x80, $0x38;
	[tilespmem:$0x18510] =	vst v63  }
0xc1: {  	p0 =	sne.s32 s6, $0xFF00;
	s6 =	sadd.s32 $0xE488, s7;
	s11 =	sadd.s32 $0x10, s12  }
0xc2: {  	[hbm4b:s11+s3] =	stream.linear.scatter [tilespmem:s6], [sflag:$0x3], $0x80, $0x38;
	[tilespmem:$0x18510] =	vst v63  }
0xc3: {  	s6 =	sadd.s32 $0xE510, s7;
	s11 =	sadd.s32 $0x20, s12  }
0xc4: {  	[hbm4b:s11+s3] =	stream.linear.scatter [tilespmem:s6], [sflag:$0x3], $0x80, $0x38;
	[tilespmem:$0x18510] =	vst v63  }
0xc5: {  	s6 =	sadd.s32 $0xE598, s7;
	s11 =	sadd.s32 $0x30, s12  }
0xc6: {  	[hbm4b:s11+s3] =	stream.linear.scatter [tilespmem:s6], [sflag:$0x3], $0x80, $0x38;
	[tilespmem:$0x18510] =	vst v63  }
0xc7: {  	s6 =	sadd.s32 $0xE620, s7;
	s11 =	sadd.s32 $0x40, s12  }
0xc8: {  	[hbm4b:s11+s3] =	stream.linear.scatter [tilespmem:s6], [sflag:$0x3], $0x80, $0x38;
	[tilespmem:$0x18510] =	vst v63  }
.Ltmp4:
0xc9: {  	s6 =	sadd.s32 $0xE6A8, s7;
	s11 =	sadd.s32 $0x50, s12;
	(pc) =	sbr.rel @p0 .LBB2_11-.Ltmp4, $4  }
0xca: {  	[hbm4b:s11+s3] =	stream.linear.scatter [tilespmem:s6], [sflag:$0x3], $0x80, $0x38;
	[tilespmem:$0x18510] =	vst v63  }
0xcb: {  	s14 =	sadd.s32 $0x70, s12;
	s6 =	sadd.s32 $0xE730, s7;
	s11 =	sadd.s32 $0x60, s12  }
0xcc: {  	[hbm4b:s11+s3] =	stream.linear.scatter [tilespmem:s6], [sflag:$0x3], $0x80, $0x38;
	[tilespmem:$0x18510] =	vst v63  }
0xcd: {  	s7 =	sadd.s32 $0xE7B8, s7;
	s12 =	sadd.s32 $0x1000, s12;
	s6 =	smov.u32 s9  }
0xce: {  	[hbm4b:s14+s3] =	stream.linear.scatter [tilespmem:s7], [sflag:$0x3], $0x80, $0x38;
	[tilespmem:$0x18510] =	vst v63  }
0xcf: {  	s6 =	sadd.s32 $0xE400, s5  }
0xd0: {  	[hbm4b:s12+s3] =	stream.linear.scatter [tilespmem:s6], [sflag:$0x3], $0x80, $0x38;
	[tilespmem:$0x18510] =	vst v63  }
0xd1: {  	s7 =	sadd.s32 $0xE488, s5;
	s9 =	sadd.s32 $0x10, s12  }
0xd2: {  	[hbm4b:s9+s3] =	stream.linear.scatter [tilespmem:s7], [sflag:$0x3], $0x80, $0x38;
	[tilespmem:$0x18510] =	vst v63  }
0xd3: {  	s11 =	sadd.s32 $0xE510, s5;
	s14 =	sadd.s32 $0x20, s12  }
0xd4: {  	[hbm4b:s14+s3] =	stream.linear.scatter [tilespmem:s11], [sflag:$0x3], $0x80, $0x38;
	[tilespmem:$0x18510] =	vst v63  }
0xd5: {  	s7 =	sadd.s32 $0xE598, s5;
	s9 =	sadd.s32 $0x30, s12  }
0xd6: {  	[hbm4b:s9+s3] =	stream.linear.scatter [tilespmem:s7], [sflag:$0x3], $0x80, $0x38;
	[tilespmem:$0x18510] =	vst v63  }
0xd7: {  	s11 =	sadd.s32 $0xE620, s5;
	s14 =	sadd.s32 $0x40, s12  }
0xd8: {  	[hbm4b:s14+s3] =	stream.linear.scatter [tilespmem:s11], [sflag:$0x3], $0x80, $0x38;
	[tilespmem:$0x18510] =	vst v63  }
0xd9: {  	s7 =	sadd.s32 $0xE6A8, s5;
	s9 =	sadd.s32 $0x50, s12  }
0xda: {  	[hbm4b:s9+s3] =	stream.linear.scatter [tilespmem:s7], [sflag:$0x3], $0x80, $0x38;
	[tilespmem:$0x18510] =	vst v63  }
0xdb: {  	s11 =	sadd.s32 $0xE730, s5;
	s14 =	sadd.s32 $0x60, s12  }
0xdc: {  	[hbm4b:s14+s3] =	stream.linear.scatter [tilespmem:s11], [sflag:$0x3], $0x80, $0x38;
	[tilespmem:$0x18510] =	vst v63  }
0xdd: {  	s9 =	sadd.s32 $0xE7B8, s5;
	s11 =	sadd.s32 $0x70, s12  }
0xde: {  	[hbm4b:s11+s3] =	stream.linear.scatter [tilespmem:s9], [sflag:$0x3], $0x80, $0x38;
	[tilespmem:$0x18510] =	vst v63  }
0xdf: {  	_ =	swait.ge [sflag:s25], $0x1000  }
0xe0: {  	[sflag:s25] =	ssyncset.done $0x0  }
0xe1: {  	[sflag:s25] =	ssyncadd.s32 $0xFFFFF000  }
0xe2: {  	_ =	swait.ge [sflag:s25], $0x1000  }
0xe3: {  	[sflag:s25] =	ssyncset.done $0x0  }
0xe4: {  	[sflag:s25] =	ssyncadd.s32 $0xFFFFF000  }
0xe5: {  	_ =	swait.ge [sflag:s25], $0x1000  }
0xe6: {  	[sflag:s25] =	ssyncset.done $0x0  }
0xe7: {  	[sflag:s25] =	ssyncadd.s32 $0xFFFFF000  }
0xe8: {  	_ =	swait.ge [sflag:s25], $0x1000  }
0xe9: {  	s12 =	sshll.u32 s31, $0x5;
	[sflag:s25] =	ssyncset.done $0x0  }
0xea: {  	s5 =	sand.u32 $0x3FFFFFE0, s12;
	[sflag:s25] =	ssyncadd.s32 $0xFFFFF000  }
0xeb: {  	s14 =	simm.s32 $0xA420;
	v10 =	vld [tilespmem:s5+$0x16C00]  }
0xec: {  	v11 =	vld [tilespmem:s14+$0x0]  }
0xed: {  	v12 =	vld [tilespmem:s14+$0x10]  }
0xee: {  	s7 =	simm.s32 $0x1;
	v13 =	vld [tilespmem:s14+$0xFFFFFFE0]  }
0xef: {  	v14 =	vmov s7;
	s9 =	simm.s32 $0x0;
	v9 =	vld [tilespmem:s5+$0x16C10]  }
0xf0: {  	v14 =	vand.u32 $0x7F, v14;
	v16 =	vmov s9;
	v15 =	vld [tilespmem:s14+$0xFFFFFFF0]  }
0xf1: {  	v17 =	vadd.s32 v0, v14;
	v16 =	vand.u32 $0x7E, v16  }
0xf2: {  	s11 =	simm.s32 $0xA460;
	v20 =	vadd.s32 v0, v16;
	v11 =	vmul.f32 v11, v8;
	v12 =	vmul.f32 v12, v8  }
0xf3: {  	v18 =	vadd.s32 v1, v14;
	v19 =	vld [tilespmem:s11+$0x0];
	v14 =	vmul.f32 v13, v8  }
0xf4: {  	s12 =	simm.s32 $0x3;
	v13 =	vadd.s32 v1, v16;
	v11 =	vadd.f32 v11, v10;
	v22 =	vadd.f32 v12, v9;
	v12 =	vld [tilespmem:s11+$0x10]  }
0xf5: {  	v21 =	vmov s12;
	v15 =	vmul.f32 v15, v8;
	v23 =	vadd.f32 v14, v10;
	v14 =	vld [tilespmem:s11+$0xFFFFFFE0]  }
0xf6: {  	v21 =	vand.u32 $0x7F, v21;
	s14 =	simm.s32 $0x2;
	v16 =	vld [tilespmem:s11+$0xFFFFFFF0];
	[tilespmem:v17+s26+$0x0] =	vst.idx.msk $0xffff, v11  }
0xf7: {  	v24 =	vmov s14;
	v11 =	vadd.s32 v0, v21;
	v17 =	vadd.f32 v15, v9;
	[tilespmem:v20+s26+$0x0] =	vst.idx.msk $0xffff, v23  }
0xf8: {  	s6 =	simm.s32 $0xA4A0;
	s5 =	simm.s32 $0x4;
	v19 =	vmul.f32 v19, v8;
	v15 =	vadd.s32 v1, v21;
	[tilespmem:v18+s26+$0x0] =	vst.idx.msk $0xffff, v22;
	v18 =	vand.u32 $0x7E, v24  }
.LBB2_13:
0xf9: {  	v20 =	vld [tilespmem:s6+$0x0];
	v21 =	vadd.s32 v0, v18;
	v22 =	vmul.f32 v12, v8;
	[tilespmem:v13+s26+$0x0] =	vst.idx.msk $0xffff, v17;
	s7 =	smov.u32 s5;
	p0 =	slt.u32 s5, $0x7E  }
.Ltmp5:
0xfa: {  	s5 =	sadd.s32 $0x2, s5;
	v13 =	vadd.s32 v1, v18;
	s9 =	sadd.s32 $0x1, s7;
	v12 =	vld [tilespmem:s6+$0x10];
	v17 =	vmul.f32 v14, v8;
	v18 =	vadd.f32 v19, v10;
	(pc) =	sbr.rel @p0 .LBB2_13-.Ltmp5, $4  }
0xfb: {  	v14 =	vld [tilespmem:s6+$0xFFFFFFE0];
	v19 =	vmov s9;
	v23 =	vmul.f32 v16, v8;
	v22 =	vadd.f32 v22, v9  }
0xfc: {  	v16 =	vld [tilespmem:s6+$0xFFFFFFF0];
	v24 =	vand.u32 $0x7F, v19;
	v25 =	vadd.f32 v17, v10;
	[tilespmem:v11+s26+$0x0] =	vst.idx.msk $0xffff, v18  }
0xfd: {  	v18 =	vmov s7;
	v11 =	vadd.s32 v0, v24;
	v17 =	vadd.f32 v23, v9;
	[tilespmem:v15+s26+$0x0] =	vst.idx.msk $0xffff, v22  }
0xfe: {  	s6 =	sadd.s32 $0x40, s6;
	v18 =	vand.u32 $0x7E, v18;
	v15 =	vadd.s32 v1, v24;
	v19 =	vmul.f32 v20, v8;
	[tilespmem:v21+s26+$0x0] =	vst.idx.msk $0xffff, v25  }
0xff: {  	_ =	sdelay $0x1  }
0x100: {  	v20 =	vadd.s32 v0, v18;
	v12 =	vmul.f32 v12, v8  }
0x101: {  	v18 =	vadd.s32 v1, v18;
	v14 =	vmul.f32 v14, v8;
	v19 =	vadd.f32 v19, v10  }
0x102: {  	[tilespmem:v13+s26+$0x0] =	vst.idx.msk $0xffff, v17;
	v13 =	vmul.f32 v16, v8;
	v12 =	vadd.f32 v12, v9  }
0x103: {  	v10 =	vadd.f32 v14, v10;
	[tilespmem:v11+s26+$0x0] =	vst.idx.msk $0xffff, v19  }
0x104: {  	v9 =	vadd.f32 v13, v9;
	[tilespmem:v15+s26+$0x0] =	vst.idx.msk $0xffff, v12  }
0x105: {  	s5 =	sshll.u32 s10, $0x5;
	[tilespmem:v20+s26+$0x0] =	vst.idx.msk $0xffff, v10  }
0x106: {  	s5 =	sand.u32 $0x3FFFFFE0, s5;
	[tilespmem:v18+s26+$0x0] =	vst.idx.msk $0xffff, v9  }
0x107: {  	s9 =	simm.s32 $0xB430;
	v10 =	vld [tilespmem:s5+$0x16C00]  }
0x108: {  	v11 =	vld [tilespmem:s9+$0xFFFFFFF0]  }
0x109: {  	v12 =	vld [tilespmem:s9+$0x0]  }
0x10a: {  	s6 =	simm.s32 $0x1;
	v13 =	vld [tilespmem:s9+$0xFFFFFFD0]  }
0x10b: {  	s10 =	simm.s32 $0x0;
	v14 =	vmov s6;
	v9 =	vld [tilespmem:s5+$0x16C10]  }
0x10c: {  	v16 =	vmov s10;
	v14 =	vand.u32 $0x7F, v14;
	v15 =	vld [tilespmem:s9+$0xFFFFFFE0]  }
0x10d: {  	v16 =	vand.u32 $0x7E, v16;
	v17 =	vadd.s32 v2, v14  }
0x10e: {  	s11 =	simm.s32 $0xB470;
	v20 =	vadd.s32 v2, v16;
	v11 =	vmul.f32 v11, v8;
	v12 =	vmul.f32 v12, v8  }
0x10f: {  	v18 =	vadd.s32 v3, v14;
	v19 =	vld [tilespmem:s11+$0xFFFFFFF0];
	v14 =	vmul.f32 v13, v8  }
0x110: {  	s12 =	simm.s32 $0x3;
	v13 =	vadd.s32 v3, v16;
	v11 =	vadd.f32 v11, v10;
	v22 =	vadd.f32 v12, v9;
	v12 =	vld [tilespmem:s11+$0x0]  }
0x111: {  	v21 =	vmov s12;
	v15 =	vmul.f32 v15, v8;
	v23 =	vadd.f32 v14, v10;
	v14 =	vld [tilespmem:s11+$0xFFFFFFD0]  }
0x112: {  	s14 =	simm.s32 $0x2;
	v21 =	vand.u32 $0x7F, v21;
	v16 =	vld [tilespmem:s11+$0xFFFFFFE0];
	[tilespmem:v17+s26+$0x0] =	vst.idx.msk $0xffff, v11  }
0x113: {  	v24 =	vmov s14;
	v11 =	vadd.s32 v2, v21;
	v17 =	vadd.f32 v15, v9;
	[tilespmem:v20+s26+$0x0] =	vst.idx.msk $0xffff, v23  }
0x114: {  	s6 =	simm.s32 $0xB4B0;
	s5 =	simm.s32 $0x4;
	v19 =	vmul.f32 v19, v8;
	v15 =	vadd.s32 v3, v21;
	[tilespmem:v18+s26+$0x0] =	vst.idx.msk $0xffff, v22;
	v18 =	vand.u32 $0x7E, v24  }
.LBB2_15:
0x115: {  	v20 =	vld [tilespmem:s6+$0xFFFFFFF0];
	v21 =	vadd.s32 v2, v18;
	v22 =	vmul.f32 v12, v8;
	[tilespmem:v13+s26+$0x0] =	vst.idx.msk $0xffff, v17;
	s7 =	smov.u32 s5;
	p0 =	slt.u32 s5, $0x7E  }
.Ltmp6:
0x116: {  	s5 =	sadd.s32 $0x2, s5;
	v13 =	vadd.s32 v3, v18;
	s9 =	sadd.s32 $0x1, s7;
	v12 =	vld [tilespmem:s6+$0x0];
	v17 =	vmul.f32 v14, v8;
	v18 =	vadd.f32 v19, v10;
	(pc) =	sbr.rel @p0 .LBB2_15-.Ltmp6, $4  }
0x117: {  	v14 =	vld [tilespmem:s6+$0xFFFFFFD0];
	v19 =	vmov s9;
	v23 =	vmul.f32 v16, v8;
	v22 =	vadd.f32 v22, v9  }
0x118: {  	v16 =	vld [tilespmem:s6+$0xFFFFFFE0];
	v24 =	vand.u32 $0x7F, v19;
	v25 =	vadd.f32 v17, v10;
	[tilespmem:v11+s26+$0x0] =	vst.idx.msk $0xffff, v18  }
0x119: {  	v18 =	vmov s7;
	v11 =	vadd.s32 v2, v24;
	v17 =	vadd.f32 v23, v9;
	[tilespmem:v15+s26+$0x0] =	vst.idx.msk $0xffff, v22  }
0x11a: {  	s6 =	sadd.s32 $0x40, s6;
	v18 =	vand.u32 $0x7E, v18;
	v15 =	vadd.s32 v3, v24;
	v19 =	vmul.f32 v20, v8;
	[tilespmem:v21+s26+$0x0] =	vst.idx.msk $0xffff, v25  }
0x11b: {  	_ =	sdelay $0x1  }
0x11c: {  	v20 =	vadd.s32 v2, v18;
	v12 =	vmul.f32 v12, v8  }
0x11d: {  	v18 =	vadd.s32 v3, v18;
	v14 =	vmul.f32 v14, v8;
	v19 =	vadd.f32 v19, v10  }
0x11e: {  	[tilespmem:v13+s26+$0x0] =	vst.idx.msk $0xffff, v17;
	v13 =	vmul.f32 v16, v8;
	v12 =	vadd.f32 v12, v9  }
0x11f: {  	v10 =	vadd.f32 v14, v10;
	[tilespmem:v11+s26+$0x0] =	vst.idx.msk $0xffff, v19  }
0x120: {  	v9 =	vadd.f32 v13, v9;
	[tilespmem:v15+s26+$0x0] =	vst.idx.msk $0xffff, v12  }
0x121: {  	s1 =	sshll.u32 s1, $0x5;
	[tilespmem:v20+s26+$0x0] =	vst.idx.msk $0xffff, v10  }
0x122: {  	s1 =	sand.u32 $0x3FFFFFE0, s1;
	[tilespmem:v18+s26+$0x0] =	vst.idx.msk $0xffff, v9  }
0x123: {  	s9 =	simm.s32 $0xC430;
	v10 =	vld [tilespmem:s1+$0x16C00]  }
0x124: {  	v11 =	vld [tilespmem:s9+$0xFFFFFFF0]  }
0x125: {  	v12 =	vld [tilespmem:s9+$0x0]  }
0x126: {  	s5 =	simm.s32 $0x1;
	v13 =	vld [tilespmem:s9+$0xFFFFFFD0]  }
0x127: {  	s10 =	simm.s32 $0x0;
	v14 =	vmov s5;
	v9 =	vld [tilespmem:s1+$0x16C10]  }
0x128: {  	v16 =	vmov s10;
	v14 =	vand.u32 $0x7F, v14;
	v15 =	vld [tilespmem:s9+$0xFFFFFFE0]  }
0x129: {  	v16 =	vand.u32 $0x7E, v16;
	v17 =	vadd.s32 v4, v14  }
0x12a: {  	s11 =	simm.s32 $0xC470;
	v20 =	vadd.s32 v4, v16;
	v11 =	vmul.f32 v11, v8;
	v12 =	vmul.f32 v12, v8  }
0x12b: {  	v18 =	vadd.s32 v5, v14;
	v19 =	vld [tilespmem:s11+$0xFFFFFFF0];
	v14 =	vmul.f32 v13, v8  }
0x12c: {  	s12 =	simm.s32 $0x3;
	v13 =	vadd.s32 v5, v16;
	v11 =	vadd.f32 v11, v10;
	v22 =	vadd.f32 v12, v9;
	v12 =	vld [tilespmem:s11+$0x0]  }
0x12d: {  	v21 =	vmov s12;
	v15 =	vmul.f32 v15, v8;
	v23 =	vadd.f32 v14, v10;
	v14 =	vld [tilespmem:s11+$0xFFFFFFD0]  }
0x12e: {  	s14 =	simm.s32 $0x2;
	v21 =	vand.u32 $0x7F, v21;
	v16 =	vld [tilespmem:s11+$0xFFFFFFE0];
	[tilespmem:v17+s26+$0x0] =	vst.idx.msk $0xffff, v11  }
0x12f: {  	v24 =	vmov s14;
	v11 =	vadd.s32 v4, v21;
	v17 =	vadd.f32 v15, v9;
	[tilespmem:v20+s26+$0x0] =	vst.idx.msk $0xffff, v23  }
0x130: {  	s5 =	simm.s32 $0xC4B0;
	s1 =	simm.s32 $0x4;
	v19 =	vmul.f32 v19, v8;
	v15 =	vadd.s32 v5, v21;
	[tilespmem:v18+s26+$0x0] =	vst.idx.msk $0xffff, v22;
	v18 =	vand.u32 $0x7E, v24  }
.LBB2_17:
0x131: {  	v20 =	vld [tilespmem:s5+$0xFFFFFFF0];
	v21 =	vadd.s32 v4, v18;
	v22 =	vmul.f32 v12, v8;
	[tilespmem:v13+s26+$0x0] =	vst.idx.msk $0xffff, v17;
	s6 =	smov.u32 s1;
	p0 =	slt.u32 s1, $0x7E  }
.Ltmp7:
0x132: {  	s1 =	sadd.s32 $0x2, s1;
	v13 =	vadd.s32 v5, v18;
	s7 =	sadd.s32 $0x1, s6;
	v12 =	vld [tilespmem:s5+$0x0];
	v17 =	vmul.f32 v14, v8;
	v18 =	vadd.f32 v19, v10;
	(pc) =	sbr.rel @p0 .LBB2_17-.Ltmp7, $4  }
0x133: {  	v14 =	vld [tilespmem:s5+$0xFFFFFFD0];
	v19 =	vmov s7;
	v23 =	vmul.f32 v16, v8;
	v22 =	vadd.f32 v22, v9  }
0x134: {  	v16 =	vld [tilespmem:s5+$0xFFFFFFE0];
	v24 =	vand.u32 $0x7F, v19;
	v25 =	vadd.f32 v17, v10;
	[tilespmem:v11+s26+$0x0] =	vst.idx.msk $0xffff, v18  }
0x135: {  	v18 =	vmov s6;
	v11 =	vadd.s32 v4, v24;
	v17 =	vadd.f32 v23, v9;
	[tilespmem:v15+s26+$0x0] =	vst.idx.msk $0xffff, v22  }
0x136: {  	s5 =	sadd.s32 $0x40, s5;
	v18 =	vand.u32 $0x7E, v18;
	v15 =	vadd.s32 v5, v24;
	v19 =	vmul.f32 v20, v8;
	[tilespmem:v21+s26+$0x0] =	vst.idx.msk $0xffff, v25  }
0x137: {  	_ =	sdelay $0x1  }
0x138: {  	v20 =	vadd.s32 v4, v18;
	v12 =	vmul.f32 v12, v8  }
0x139: {  	v18 =	vadd.s32 v5, v18;
	v14 =	vmul.f32 v14, v8;
	v19 =	vadd.f32 v19, v10  }
0x13a: {  	[tilespmem:v13+s26+$0x0] =	vst.idx.msk $0xffff, v17;
	v13 =	vmul.f32 v16, v8;
	v12 =	vadd.f32 v12, v9  }
0x13b: {  	v10 =	vadd.f32 v14, v10;
	[tilespmem:v11+s26+$0x0] =	vst.idx.msk $0xffff, v19  }
0x13c: {  	v9 =	vadd.f32 v13, v9;
	[tilespmem:v15+s26+$0x0] =	vst.idx.msk $0xffff, v12  }
0x13d: {  	s0 =	sshll.u32 s0, $0x5;
	[tilespmem:v20+s26+$0x0] =	vst.idx.msk $0xffff, v10  }
0x13e: {  	s0 =	sand.u32 $0x3FFFFFE0, s0;
	[tilespmem:v18+s26+$0x0] =	vst.idx.msk $0xffff, v9  }
0x13f: {  	s9 =	simm.s32 $0xD430;
	v10 =	vld [tilespmem:s0+$0x16C00]  }
0x140: {  	v11 =	vld [tilespmem:s9+$0xFFFFFFF0]  }
0x141: {  	v12 =	vld [tilespmem:s9+$0x0]  }
0x142: {  	s1 =	simm.s32 $0x1;
	v13 =	vld [tilespmem:s9+$0xFFFFFFD0]  }
0x143: {  	s10 =	simm.s32 $0x0;
	v14 =	vmov s1;
	v9 =	vld [tilespmem:s0+$0x16C10]  }
0x144: {  	v16 =	vmov s10;
	v14 =	vand.u32 $0x7F, v14;
	v15 =	vld [tilespmem:s9+$0xFFFFFFE0]  }
0x145: {  	v16 =	vand.u32 $0x7E, v16;
	v17 =	vadd.s32 v6, v14  }
0x146: {  	s11 =	simm.s32 $0xD470;
	v20 =	vadd.s32 v6, v16;
	v11 =	vmul.f32 v11, v8;
	v12 =	vmul.f32 v12, v8  }
0x147: {  	v14 =	vadd.s32 v7, v14;
	v19 =	vld [tilespmem:s11+$0xFFFFFFF0];
	v18 =	vmul.f32 v13, v8  }
0x148: {  	s12 =	simm.s32 $0x3;
	v13 =	vadd.s32 v7, v16;
	v11 =	vadd.f32 v11, v10;
	v23 =	vadd.f32 v12, v9;
	v12 =	vld [tilespmem:s11+$0x0]  }
0x149: {  	v21 =	vmov s12;
	v22 =	vmul.f32 v15, v8;
	v15 =	vld [tilespmem:s11+$0xFFFFFFD0];
	v24 =	vadd.f32 v18, v10  }
0x14a: {  	s14 =	simm.s32 $0x2;
	v21 =	vand.u32 $0x7F, v21;
	v16 =	vld [tilespmem:s11+$0xFFFFFFE0];
	[tilespmem:v17+s26+$0x0] =	vst.idx.msk $0xffff, v11  }
0x14b: {  	v18 =	vmov s14;
	v11 =	vadd.s32 v6, v21;
	v17 =	vadd.f32 v22, v9;
	[tilespmem:v20+s26+$0x0] =	vst.idx.msk $0xffff, v24  }
0x14c: {  	s1 =	simm.s32 $0xD4B0;
	s0 =	simm.s32 $0x4;
	v19 =	vmul.f32 v19, v8;
	v18 =	vand.u32 $0x7E, v18;
	[tilespmem:v14+s26+$0x0] =	vst.idx.msk $0xffff, v23;
	v14 =	vadd.s32 v7, v21  }
.LBB2_19:
0x14d: {  	v20 =	vld [tilespmem:s1+$0xFFFFFFF0];
	v21 =	vadd.s32 v6, v18;
	v22 =	vmul.f32 v12, v8;
	[tilespmem:v13+s26+$0x0] =	vst.idx.msk $0xffff, v17;
	s5 =	smov.u32 s0;
	p0 =	slt.u32 s0, $0x7E  }
.Ltmp8:
0x14e: {  	s0 =	sadd.s32 $0x2, s0;
	v13 =	vadd.s32 v7, v18;
	s6 =	sadd.s32 $0x1, s5;
	v12 =	vld [tilespmem:s1+$0x0];
	v17 =	vmul.f32 v15, v8;
	v18 =	vadd.f32 v19, v10;
	(pc) =	sbr.rel @p0 .LBB2_19-.Ltmp8, $4  }
0x14f: {  	v15 =	vld [tilespmem:s1+$0xFFFFFFD0];
	v19 =	vmov s6;
	v23 =	vmul.f32 v16, v8;
	v22 =	vadd.f32 v22, v9  }
0x150: {  	v16 =	vld [tilespmem:s1+$0xFFFFFFE0];
	v24 =	vand.u32 $0x7F, v19;
	v25 =	vadd.f32 v17, v10;
	[tilespmem:v11+s26+$0x0] =	vst.idx.msk $0xffff, v18  }
0x151: {  	v18 =	vmov s5;
	v11 =	vadd.s32 v6, v24;
	v17 =	vadd.f32 v23, v9;
	[tilespmem:v14+s26+$0x0] =	vst.idx.msk $0xffff, v22  }
0x152: {  	s1 =	sadd.s32 $0x40, s1;
	v18 =	vand.u32 $0x7E, v18;
	v14 =	vadd.s32 v7, v24;
	v19 =	vmul.f32 v20, v8;
	[tilespmem:v21+s26+$0x0] =	vst.idx.msk $0xffff, v25  }
0x153: {  	_ =	sdelay $0x1  }
0x154: {  	v20 =	vadd.s32 v6, v18;
	v12 =	vmul.f32 v12, v8  }
0x155: {  	v62 =	vadd.s32 v7, v18;
	v15 =	vmul.f32 v15, v8;
	v19 =	vadd.f32 v19, v10  }
0x156: {  	[tilespmem:v13+s26+$0x0] =	vst.idx.msk $0xffff, v17;
	v63 =	vmul.f32 v16, v8;
	v12 =	vadd.f32 v12, v9  }
0x157: {  	s0 =	sshll.u32 s31, $0x11;
	v10 =	vadd.f32 v15, v10;
	[tilespmem:v11+s26+$0x0] =	vst.idx.msk $0xffff, v19  }
0x158: {  	s0 =	sor.u32 s8, s0;
	v9 =	vadd.f32 v63, v9;
	[tilespmem:v14+s26+$0x0] =	vst.idx.msk $0xffff, v12  }
0x159: {  	s0 =	sshrl.u32 s0, $0x3;
	[tilespmem:v20+s26+$0x0] =	vst.idx.msk $0xffff, v10  }
0x15a: {  	s11 =	simm.s32 $0x12800;
	s1 =	sadd.s32 s2, s0;
	[tilespmem:v62+s26+$0x0] =	vst.idx.msk $0xffff, v9  }
0x15b: {  	[hbm4b:s1+s3] =	stream.linear.scatter [tilespmem:s11], [sflag:$0x3], $0x80, $0x38;
	[tilespmem:$0x18510] =	vst v63  }
0x15c: {  	s12 =	simm.s32 $0x12888;
	s5 =	sadd.s32 $0x10, s1  }
0x15d: {  	[hbm4b:s5+s3] =	stream.linear.scatter [tilespmem:s12], [sflag:$0x3], $0x80, $0x38;
	[tilespmem:$0x18510] =	vst v63  }
0x15e: {  	s14 =	simm.s32 $0x12910;
	s6 =	simm.s32 $0x12998;
	s31 =	sadd.s32 $0x20, s1  }
0x15f: {  	[hbm4b:s31+s3] =	stream.linear.scatter [tilespmem:s14], [sflag:$0x3], $0x80, $0x38;
	[tilespmem:$0x18510] =	vst v63  }
0x160: {  	s9 =	simm.s32 $0x12A20;
	s0 =	simm.s32 $0x440;
	s7 =	sadd.s32 $0x30, s1  }
0x161: {  	[hbm4b:s7+s3] =	stream.linear.scatter [tilespmem:s6], [sflag:$0x3], $0x80, $0x38;
	[tilespmem:$0x18510] =	vst v63  }
0x162: {  	s10 =	sadd.s32 $0x40, s1;
	s11 =	simm.s32 $0x12AA8;
	s12 =	sadd.s32 $0x50, s1  }
0x163: {  	[hbm4b:s10+s3] =	stream.linear.scatter [tilespmem:s9], [sflag:$0x3], $0x80, $0x38;
	[tilespmem:$0x18510] =	vst v63  }
0x164: {  	s5 =	simm.s32 $0x2200;
	s14 =	simm.s32 $0x12B30;
	s31 =	sadd.s32 $0x60, s1  }
0x165: {  	[hbm4b:s12+s3] =	stream.linear.scatter [tilespmem:s11], [sflag:$0x3], $0x80, $0x38;
	[tilespmem:$0x18510] =	vst v63  }
0x166: {  	s6 =	simm.s32 $0x12BB8;
	s7 =	sadd.s32 $0x70, s1;
	s1 =	sadd.s32 $0x1000, s1  }
0x167: {  	[hbm4b:s31+s3] =	stream.linear.scatter [tilespmem:s14], [sflag:$0x3], $0x80, $0x38;
	[tilespmem:$0x18510] =	vst v63  }
.LBB2_21:
0x168: {  	[hbm4b:s7+s3] =	stream.linear.scatter [tilespmem:s6], [sflag:$0x3], $0x80, $0x38;
	[tilespmem:$0x18510] =	vst v63  }
0x169: {  	s6 =	smov.u32 s0;
	s0 =	smov.u32 s5  }
0x16a: {  	s9 =	sadd.s32 $0x1100, s5;
	s0 =	sshra.s32 s0, $0x2;
	s7 =	sadd.s32 $0x12800, s6  }
0x16b: {  	[hbm4b:s1+s3] =	stream.linear.scatter [tilespmem:s7], [sflag:$0x3], $0x80, $0x38;
	[tilespmem:$0x18510] =	vst v63  }
0x16c: {  	p0 =	sne.s32 s5, $0xFF00;
	s5 =	sadd.s32 $0x12888, s6;
	s7 =	sadd.s32 $0x10, s1  }
0x16d: {  	[hbm4b:s7+s3] =	stream.linear.scatter [tilespmem:s5], [sflag:$0x3], $0x80, $0x38;
	[tilespmem:$0x18510] =	vst v63  }
0x16e: {  	s5 =	sadd.s32 $0x12910, s6;
	s7 =	sadd.s32 $0x20, s1  }
0x16f: {  	[hbm4b:s7+s3] =	stream.linear.scatter [tilespmem:s5], [sflag:$0x3], $0x80, $0x38;
	[tilespmem:$0x18510] =	vst v63  }
0x170: {  	s5 =	sadd.s32 $0x12998, s6;
	s7 =	sadd.s32 $0x30, s1  }
0x171: {  	[hbm4b:s7+s3] =	stream.linear.scatter [tilespmem:s5], [sflag:$0x3], $0x80, $0x38;
	[tilespmem:$0x18510] =	vst v63  }
0x172: {  	s5 =	sadd.s32 $0x12A20, s6;
	s7 =	sadd.s32 $0x40, s1  }
0x173: {  	[hbm4b:s7+s3] =	stream.linear.scatter [tilespmem:s5], [sflag:$0x3], $0x80, $0x38;
	[tilespmem:$0x18510] =	vst v63  }
.Ltmp9:
0x174: {  	s5 =	sadd.s32 $0x12AA8, s6;
	s7 =	sadd.s32 $0x50, s1;
	(pc) =	sbr.rel @p0 .LBB2_21-.Ltmp9, $4  }
0x175: {  	[hbm4b:s7+s3] =	stream.linear.scatter [tilespmem:s5], [sflag:$0x3], $0x80, $0x38;
	[tilespmem:$0x18510] =	vst v63  }
0x176: {  	s5 =	sadd.s32 $0x12B30, s6;
	s7 =	sadd.s32 $0x60, s1;
	s6 =	sadd.s32 $0x12BB8, s6  }
0x177: {  	[hbm4b:s7+s3] =	stream.linear.scatter [tilespmem:s5], [sflag:$0x3], $0x80, $0x38;
	[tilespmem:$0x18510] =	vst v63  }
0x178: {  	s7 =	sadd.s32 $0x70, s1;
	s1 =	sadd.s32 $0x1000, s1;
	s5 =	smov.u32 s9  }
0x179: {  	[hbm4b:s7+s3] =	stream.linear.scatter [tilespmem:s6], [sflag:$0x3], $0x80, $0x38;
	[tilespmem:$0x18510] =	vst v63  }
0x17a: {  	s5 =	sadd.s32 $0x12800, s0  }
0x17b: {  	[hbm4b:s1+s3] =	stream.linear.scatter [tilespmem:s5], [sflag:$0x3], $0x80, $0x38;
	[tilespmem:$0x18510] =	vst v63  }
0x17c: {  	s9 =	sadd.s32 $0x12888, s0;
	s10 =	sadd.s32 $0x10, s1  }
0x17d: {  	[hbm4b:s10+s3] =	stream.linear.scatter [tilespmem:s9], [sflag:$0x3], $0x80, $0x38;
	[tilespmem:$0x18510] =	vst v63  }
0x17e: {  	s11 =	sadd.s32 $0x12910, s0;
	s12 =	sadd.s32 $0x20, s1  }
0x17f: {  	[hbm4b:s12+s3] =	stream.linear.scatter [tilespmem:s11], [sflag:$0x3], $0x80, $0x38;
	[tilespmem:$0x18510] =	vst v63  }
0x180: {  	s14 =	sadd.s32 $0x12998, s0;
	s31 =	sadd.s32 $0x30, s1  }
0x181: {  	[hbm4b:s31+s3] =	stream.linear.scatter [tilespmem:s14], [sflag:$0x3], $0x80, $0x38;
	[tilespmem:$0x18510] =	vst v63  }
0x182: {  	s6 =	sadd.s32 $0x12A20, s0;
	s7 =	sadd.s32 $0x40, s1  }
0x183: {  	[hbm4b:s7+s3] =	stream.linear.scatter [tilespmem:s6], [sflag:$0x3], $0x80, $0x38;
	[tilespmem:$0x18510] =	vst v63  }
0x184: {  	s9 =	sadd.s32 $0x12AA8, s0;
	s10 =	sadd.s32 $0x50, s1  }
0x185: {  	[hbm4b:s10+s3] =	stream.linear.scatter [tilespmem:s9], [sflag:$0x3], $0x80, $0x38;
	[tilespmem:$0x18510] =	vst v63  }
0x186: {  	s11 =	sadd.s32 $0x12B30, s0;
	s12 =	sadd.s32 $0x60, s1  }
0x187: {  	[hbm4b:s12+s3] =	stream.linear.scatter [tilespmem:s11], [sflag:$0x3], $0x80, $0x38;
	[tilespmem:$0x18510] =	vst v63  }
0x188: {  	s30 =	sadd.s32 $0x1, s30;
	s14 =	sadd.s32 $0x12BB8, s0;
	s31 =	sadd.s32 $0x70, s1  }
0x189: {  	[hbm4b:s31+s3] =	stream.linear.scatter [tilespmem:s14], [sflag:$0x3], $0x80, $0x38;
	[tilespmem:$0x18510] =	vst v63  }
0x18a: {  	p0 =	sne.s32 s30, $0x19;
	_ =	swait.ge [sflag:s28], $0x4000  }
.Ltmp10:
0x18b: {  	[sflag:s28] =	ssyncset.done $0x0;
	(pc) =	sbr.rel @p0 .LBB2_2-.Ltmp10, $4  }
0x18c: {  	[sflag:s28] =	ssyncadd.s32 $0xFFFFC000  }
0x18d: {  	_ =	swait.ge [sflag:s28], $0x4000  }
0x18e: {  	[sflag:s28] =	ssyncset.done $0x0  }
0x18f: {  	[sflag:s28] =	ssyncadd.s32 $0xFFFFC000  }
0x190: {  	s29 =	sadd.s32 $0x1, s29;
	s0 =	rddreg [dreg:$0x6]  }
0x191: {  	p0 =	sne.s32 s29, s0  }
.Ltmp11:
0x192: {  	_ = 	snop;
	(pc) =	sbr.rel @p0 .LBB2_1-.Ltmp11, $1  }
0x193: {  	_ =	sdelay $0x3  }
0x194: {  	_ =	sfence.sel $0x180000  }
0x195: {  	[bflag:$0x0] =	sbarrier.arrive $0xFFFF  }
0x196: {  	_ =	strace $0x90000047  }
0x197: {  	s0 =	stileid.u32;
	[bflag:$0x2] =	sbarrier.arrive $0xFFFF  }
0x198: {  	p0 =	sne.s32 s0, $0x0;
	s0 =	rddreg [dreg:$0x2]  }
0x199: {  	s0 =	sadd.s32 @!p0 $0x100000, s0  }
0x19a: {  	[sflag:s0] =	ssyncadd.tile.s32 @!p0 $0x1;
	_ =	shalt  }
.Lfunc_end2:
_tile_overlayer_lowered:
.L_overlay_start_2:
0x19b: {  	(tag) =	ssettag $0x2  }
0x19c: {  	s0 =	rddreg [dreg:$0x0];
	s2 =	stileid.u32  }
0x19d: {  	s1 =	rddreg [dreg:$0x1];
	p0 =	sne.s32 s2, $0x0  }
0x19e: {  	s3 =	rddreg [dreg:$0x2];
	[bflag:$0x3] =	sbarrier.arrive $0xFFFF;
	s2 =	simm.s32 @!p0 $0x1C04  }
0x19f: {  	[timem:s3], [sflag:s2] =	dma.local @!p0 [hbm:s0], s1  }
0x1a0: {  	s0 =	simm.s32 @!p0 $0x4  }
0x1a1: {  	_ =	swait.ge @!p0 [sflag:s0], s1  }
0x1a2: {  	s1 =	ssub.s32 @!p0 $0x0, s1;
	[sflag:s0] =	ssyncset.done @!p0 $0x0  }
0x1a3: {  	[sflag:s0] =	ssyncadd.s32 @!p0 s1  }
0x1a4: {  	[bflag:$0x3] =	sbarrier.arrive $0xFFFF  }
0x1a5: {  	_ =	shalt  }

</sc_bundles>
